<compile_context>
chip_gen: v7x
topology: tpu7x:2x2x1
jax: 0.10.2.dev20260603
libtpu: 0.0.44.dev20260713+nightly
codegen_flags: <defaults>
</compile_context>

<pallas_src>
import jax
import jax.numpy as jnp
from jax import lax
from jax.experimental import pallas as pl
from jax.experimental.pallas import tpu as pltpu
from jax.experimental.pallas import tpu_sc as plsc

_VOCAB = 100000
_HID = 768
_B = 4
_S = 2048
_EPS = 1e-12
_TOK = _B * _S

_NC = 2
_NS = 16
_NW = _NC * _NS
_PER_W = _TOK // _NW
_CHUNK = 64
_NCH = _PER_W // _CHUNK


def _sc_gather_body(table_hbm, idx_hbm, out_hbm, idx_v, rows_v, sem0, sem1):
    wid = lax.axis_index("s") * _NC + lax.axis_index("c")
    base = wid * _PER_W
    pltpu.sync_copy(idx_hbm.at[wid], idx_v)
    sems = (sem0, sem1)
    cp0 = pltpu.async_copy(table_hbm.at[idx_v.at[0]], rows_v.at[0], sems[0])
    copies = [cp0, None]
    for c in range(_NCH):
        b = c % 2
        if c + 1 < _NCH:
            nb = (c + 1) % 2
            copies[nb] = pltpu.async_copy(
                table_hbm.at[idx_v.at[c + 1]], rows_v.at[nb], sems[nb]
            )
        copies[b].wait()
        pltpu.sync_copy(rows_v.at[b], out_hbm.at[pl.ds(base + c * _CHUNK, _CHUNK)])


def _sc_gather(word_table, idx3):
    mesh = plsc.VectorSubcoreMesh(
        core_axis_name="c", subcore_axis_name="s", num_cores=_NC, num_subcores=_NS
    )
    return pl.kernel(
        _sc_gather_body,
        out_type=jax.ShapeDtypeStruct((_TOK, _HID), jnp.float32),
        mesh=mesh,
        scratch_types=[
            pltpu.VMEM((_NCH, _CHUNK), jnp.int32),
            pltpu.VMEM((2, _CHUNK, _HID), jnp.float32),
            pltpu.SemaphoreType.DMA,
            pltpu.SemaphoreType.DMA,
        ],
    )(word_table, idx3)


_ROWS_BLK = 1024
_SBLK = _S // _ROWS_BLK


def _pos_body(out_ref, prev_ref):
    i = pl.program_id(0)
    half = _HID // 2
    h_idx = lax.broadcasted_iota(jnp.int32, (1, _HID), 1)
    h_mod = jnp.where(h_idx < half, h_idx, h_idx - half).astype(jnp.float32)
    inv_freq = jnp.exp(h_mod * (-2.0 * jnp.log(10000.0) / _HID))

    @pl.when(i == 0)
    def _():
        pos = lax.broadcasted_iota(jnp.int32, (_ROWS_BLK, 1), 0).astype(jnp.float32)
        shift = jnp.where(h_idx < half, 0.0, 0.5 * jnp.pi).astype(jnp.float32)
        blk = jnp.sin(pos * inv_freq + shift)
        out_ref[...] = blk
        prev_ref[...] = blk

    @pl.when(i > 0)
    def _():
        rot_s = jnp.sin(_ROWS_BLK * inv_freq)
        rot_c = jnp.sin(_ROWS_BLK * inv_freq + 0.5 * jnp.pi)
        prev = prev_ref[...]
        partner = jnp.concatenate([prev[:, half:], prev[:, :half]], axis=1)
        sign = jnp.where(h_idx < half, 1.0, -1.0).astype(jnp.float32)
        blk = prev * rot_c + sign * partner * rot_s
        out_ref[...] = blk
        prev_ref[...] = blk


def _pos_table():
    return pl.pallas_call(
        _pos_body,
        grid=(_SBLK,),
        out_specs=pl.BlockSpec((_ROWS_BLK, _HID), lambda i: (i, 0)),
        out_shape=jax.ShapeDtypeStruct((_S, _HID), jnp.float32),
        scratch_shapes=[pltpu.VMEM((_ROWS_BLK, _HID), jnp.float32)],
    )()


def _tc_fuse_body(rows_ref, pos_ref, tt_ref, type_ref, gamma_ref, beta_ref, out_ref):
    rows = rows_ref[...]
    ttf = jnp.reshape(tt_ref[0], (1, _ROWS_BLK)).T
    type_emb = type_ref[0:1, :] + ttf * (type_ref[1:2, :] - type_ref[0:1, :])
    e = rows + pos_ref[...] + type_emb
    mean = jnp.mean(e, axis=1, keepdims=True)
    d = e - mean
    var = jnp.mean(d * d, axis=1, keepdims=True)
    normed = d * lax.rsqrt(var + _EPS)
    out_ref[...] = normed * gamma_ref[...] + beta_ref[...]


def _tc_fuse(rows, pos, tt3, type_table, gamma2, beta2):
    grid = (_SBLK, _B)
    rows_map = lambda i, j: (j * _SBLK + i, 0)
    return pl.pallas_call(
        _tc_fuse_body,
        grid=grid,
        in_specs=[
            pl.BlockSpec((_ROWS_BLK, _HID), rows_map),
            pl.BlockSpec((_ROWS_BLK, _HID), lambda i, j: (i, 0)),
            pl.BlockSpec((1, 1, _ROWS_BLK), lambda i, j: (j * _SBLK + i, 0, 0)),
            pl.BlockSpec((2, _HID), lambda i, j: (0, 0)),
            pl.BlockSpec((1, _HID), lambda i, j: (0, 0)),
            pl.BlockSpec((1, _HID), lambda i, j: (0, 0)),
        ],
        out_specs=pl.BlockSpec((_ROWS_BLK, _HID), rows_map),
        out_shape=jax.ShapeDtypeStruct((_TOK, _HID), jnp.float32),
    )(rows, pos, tt3, type_table, gamma2, beta2)


def kernel(input_ids, token_type_ids, word_table, type_table, gamma, beta):
    idx3 = input_ids.reshape(_NW, _NCH, _CHUNK)
    rows = _sc_gather(word_table, idx3)
    pos = _pos_table()
    ttf = token_type_ids.astype(jnp.float32).reshape(_B * _SBLK, 1, _ROWS_BLK)
    out = _tc_fuse(
        rows, pos, ttf, type_table, gamma.reshape(1, _HID), beta.reshape(1, _HID)
    )
    return out.reshape(_B, _S, _HID)

# --- scband reference (transcript-rebuilt; emitter-appended) ---
"""Pipeline reference for scband-super-positional-bert-embeddings-24824910971292 (READ-ONLY COPY).

The authoritative reference and input builder live on the scoring server;
editing this copy changes nothing except your own understanding.
"""

import jax, jax.numpy as jnp
import numpy as np

VOCAB = 100000
HID = 768
TYPES = 2
B = 4
S = 2048
EPS = 1e-12


def setup_inputs(seed: int = 0) -> dict:
    key = jax.random.key(seed)
    k1, k2, k3, k4 = jax.random.split(key, 4)
    input_ids = jax.random.randint(k1, (B, S), 0, VOCAB, dtype=jnp.int32)
    token_type_ids = jax.random.randint(k2, (B, S), 0, TYPES, dtype=jnp.int32)
    word_table = (jax.random.normal(k3, (VOCAB, HID), dtype=jnp.float32) * 0.02)
    # padding_idx=0 row initialized to zeros, matching nn.Embedding(padding_idx=0)
    word_table = word_table.at[0].set(0.0)
    type_table = (jax.random.normal(k4, (TYPES, HID), dtype=jnp.float32) * 0.02)
    gamma = jnp.ones((HID,), dtype=jnp.float32)
    beta = jnp.zeros((HID,), dtype=jnp.float32)
    return {
        "input_ids": input_ids,
        "token_type_ids": token_type_ids,
        "word_table": word_table,
        "type_table": type_table,
        "gamma": gamma,
        "beta": beta,
    }


def _super_positional_embedding(pos_seq, demb, bsz):
    # inv_freq = 1 / 10000 ** (arange(0, demb, 2) / demb)
    inv_freq = 1.0 / (10000.0 ** (jnp.arange(0.0, demb, 2.0, dtype=jnp.float32) / demb))
    sinusoid_inp = jnp.outer(pos_seq, inv_freq)  # torch.ger
    pos_emb = jnp.concatenate([jnp.sin(sinusoid_inp), jnp.cos(sinusoid_inp)], axis=-1)
    pos_emb = pos_emb[None, :, :]
    return jnp.broadcast_to(pos_emb, (bsz, pos_seq.shape[0], demb))


def reference(input_ids, token_type_ids, word_table, type_table, gamma, beta):
    # word embedding lookup (gather)
    words_embeddings = jnp.take(word_table, input_ids, axis=0)  # [B, S, H]
    bsz, seq_length = input_ids.shape
    # position_ids defaults to arange(seq_length) in float dtype
    position_ids = jnp.arange(seq_length, dtype=words_embeddings.dtype)
    position_embeddings = _super_positional_embedding(position_ids, word_table.shape[1], bsz)
    # token type embedding lookup (gather)
    token_type_embeddings = jnp.take(type_table, token_type_ids, axis=0)
    embeddings = words_embeddings + position_embeddings + token_type_embeddings
    # LayerNorm (eps=1e-12), biased variance like torch.nn.LayerNorm
    mean = jnp.mean(embeddings, axis=-1, keepdims=True)
    var = jnp.mean(jnp.square(embeddings - mean), axis=-1, keepdims=True)
    normed = (embeddings - mean) / jnp.sqrt(var + EPS)
    out = normed * gamma + beta
    # dropout is identity in eval mode
    return out

if __name__ == "__main__":
    import jax
    _d = setup_inputs()
    print(jax.jit(kernel)(*tuple(_d.values())))

</pallas_src>

<mosaic_0001>
#map = affine_map<(d0, d1) -> (0, 0)>
#map1 = affine_map<(d0, d1) -> (0, 0, 0)>
module attributes {stable_mosaic.version = 14 : i64} {
  func.func @_sc_gather_body(%arg0: i32, %arg1: i32, %arg2: memref<100000x768xf32, #tpu.memory_space<hbm>>, %arg3: memref<32x4x64xi32, #tpu.memory_space<hbm>>, %arg4: memref<8192x768xf32, #tpu.memory_space<hbm>>, %arg5: memref<4x64xi32, #tpu.memory_space<vmem>>, %arg6: memref<2x64x768xf32, #tpu.memory_space<vmem>>, %arg7: memref<!tpu.dma_semaphore, #tpu.memory_space<semaphore_mem>>, %arg8: memref<!tpu.dma_semaphore, #tpu.memory_space<semaphore_mem>>) attributes {dimension_semantics = [#tpu.dimension_semantics<core_parallel>, #tpu.dimension_semantics<subcore_parallel>], iteration_bounds = array<i64: 2, 16>, scalar_prefetch = 0 : i64, scratch_operands = 4 : i64, tpu.core_type = #tpu.core_type<sc_vector_subcore>, window_params = [{transform_indices = #map}, {transform_indices = #map1}, {transform_indices = #map}]} {
    %mul3A = arith.constant 2 : i32
    %mul3A_0 = arith.muli %arg1, %mul3A : i32
    %add3A = arith.addi %mul3A_0, %arg0 : i32
    %mul3A_1 = arith.constant 256 : i32
    %mul3A_2 = arith.muli %add3A, %mul3A_1 : i32
    "tpu.region"() ({
      %run_scoped3A_108 = tpu.sem_alloc : memref<!tpu.dma_semaphore, #tpu.memory_space<semaphore_mem>>
      %dma_start3A_109 = arith.constant 0 : i32
      %dma_start3A_110 = arith.constant 0 : i32
      %dma_start3A_111 = tpu.memref_slice %arg3[%add3A, %dma_start3A_109, %dma_start3A_110] : memref<32x4x64xi32, #tpu.memory_space<hbm>> -> memref<1x4x64xi32, #tpu.memory_space<hbm>>
      %dma_start3A_112 = tpu.memref_squeeze %dma_start3A_111 : memref<1x4x64xi32, #tpu.memory_space<hbm>> -> memref<4x64xi32, #tpu.memory_space<hbm>>
      %dma_start3A_113 = arith.constant 0 : i32
      %dma_start3A_114 = arith.constant 0 : i32
      %dma_start3A_115 = tpu.memref_slice %arg3[%add3A, %dma_start3A_113, %dma_start3A_114] : memref<32x4x64xi32, #tpu.memory_space<hbm>> -> memref<1x4x64xi32, #tpu.memory_space<hbm>>
      %dma_start3A_116 = tpu.memref_squeeze %dma_start3A_115 : memref<1x4x64xi32, #tpu.memory_space<hbm>> -> memref<4x64xi32, #tpu.memory_space<hbm>>
      tpu.enqueue_dma source(%dma_start3A_116 : memref<4x64xi32, #tpu.memory_space<hbm>>) target(%arg5 : memref<4x64xi32, #tpu.memory_space<vmem>>) target_semaphore(%run_scoped3A_108 : memref<!tpu.dma_semaphore, #tpu.memory_space<semaphore_mem>>)
      %dma_wait3A_117 = arith.constant 0 : i32
      %dma_wait3A_118 = arith.constant 0 : i32
      %dma_wait3A_119 = tpu.memref_slice %arg3[%add3A, %dma_wait3A_117, %dma_wait3A_118] : memref<32x4x64xi32, #tpu.memory_space<hbm>> -> memref<1x4x64xi32, #tpu.memory_space<hbm>>
      %dma_wait3A_120 = tpu.memref_squeeze %dma_wait3A_119 : memref<1x4x64xi32, #tpu.memory_space<hbm>> -> memref<4x64xi32, #tpu.memory_space<hbm>>
      %dma_wait3A_121 = arith.constant 0 : i32
      %dma_wait3A_122 = arith.constant 0 : i32
      %dma_wait3A_123 = tpu.memref_slice %arg3[%add3A, %dma_wait3A_121, %dma_wait3A_122] : memref<32x4x64xi32, #tpu.memory_space<hbm>> -> memref<1x4x64xi32, #tpu.memory_space<hbm>>
      %dma_wait3A_124 = tpu.memref_squeeze %dma_wait3A_123 : memref<1x4x64xi32, #tpu.memory_space<hbm>> -> memref<4x64xi32, #tpu.memory_space<hbm>>
      tpu.wait_dma2 semaphore(%run_scoped3A_108 : memref<!tpu.dma_semaphore, #tpu.memory_space<semaphore_mem>>) src(%dma_wait3A_124 : memref<4x64xi32, #tpu.memory_space<hbm>>) dst(%arg5 : memref<4x64xi32, #tpu.memory_space<vmem>>)
      tpu.yield
    }) : () -> ()
    %dma_start3A = arith.constant 0 : i32
    %dma_start3A_3 = arith.constant 0 : i32
    %dma_start3A_4 = arith.constant 0 : i32
    %dma_start3A_5 = arith.constant 0 : i32
    %dma_start3A_6 = tpu.memref_slice %arg6[%dma_start3A_3, %dma_start3A_4, %dma_start3A_5] : memref<2x64x768xf32, #tpu.memory_space<vmem>> -> memref<1x64x768xf32, #tpu.memory_space<vmem>>
    %dma_start3A_7 = tpu.memref_squeeze %dma_start3A_6 : memref<1x64x768xf32, #tpu.memory_space<vmem>> -> memref<64x768xf32, #tpu.memory_space<vmem>>
    %dma_start3A_8 = arith.constant 0 : i32
    %dma_start3A_9 = tpu.memref_slice %arg5[%dma_start3A, %dma_start3A_8] : memref<4x64xi32, #tpu.memory_space<vmem>> -> memref<1x64xi32, #tpu.memory_space<vmem>>
    %dma_start3A_10 = tpu.memref_squeeze %dma_start3A_9 : memref<1x64xi32, #tpu.memory_space<vmem>> -> memref<64xi32, #tpu.memory_space<vmem>>
    %dma_start3A_11 = arith.constant 0 : i32
    %dma_start3A_12 = arith.constant 0 : i32
    %dma_start3A_13 = tpu.memref_slice %arg2[%dma_start3A_11, %dma_start3A_12] : memref<100000x768xf32, #tpu.memory_space<hbm>> -> memref<100000x768xf32, #tpu.memory_space<hbm>>
    tpu.enqueue_indirect_dma source(%dma_start3A_13 : memref<100000x768xf32, #tpu.memory_space<hbm>>) target(%dma_start3A_7 : memref<64x768xf32, #tpu.memory_space<vmem>>) offsets(%dma_start3A_10 : memref<64xi32, #tpu.memory_space<vmem>>) semaphore(%arg7 : memref<!tpu.dma_semaphore, #tpu.memory_space<semaphore_mem>>)
    %dma_start3A_14 = arith.constant 1 : i32
    %dma_start3A_15 = arith.constant 1 : i32
    %dma_start3A_16 = arith.constant 0 : i32
    %dma_start3A_17 = arith.constant 0 : i32
    %dma_start3A_18 = tpu.memref_slice %arg6[%dma_start3A_15, %dma_start3A_16, %dma_start3A_17] : memref<2x64x768xf32, #tpu.memory_space<vmem>> -> memref<1x64x768xf32, #tpu.memory_space<vmem>>
    %dma_start3A_19 = tpu.memref_squeeze %dma_start3A_18 : memref<1x64x768xf32, #tpu.memory_space<vmem>> -> memref<64x768xf32, #tpu.memory_space<vmem>>
    %dma_start3A_20 = arith.constant 0 : i32
    %dma_start3A_21 = tpu.memref_slice %arg5[%dma_start3A_14, %dma_start3A_20] : memref<4x64xi32, #tpu.memory_space<vmem>> -> memref<1x64xi32, #tpu.memory_space<vmem>>
    %dma_start3A_22 = tpu.memref_squeeze %dma_start3A_21 : memref<1x64xi32, #tpu.memory_space<vmem>> -> memref<64xi32, #tpu.memory_space<vmem>>
    %dma_start3A_23 = arith.constant 0 : i32
    %dma_start3A_24 = arith.constant 0 : i32
    %dma_start3A_25 = tpu.memref_slice %arg2[%dma_start3A_23, %dma_start3A_24] : memref<100000x768xf32, #tpu.memory_space<hbm>> -> memref<100000x768xf32, #tpu.memory_space<hbm>>
    tpu.enqueue_indirect_dma source(%dma_start3A_25 : memref<100000x768xf32, #tpu.memory_space<hbm>>) target(%dma_start3A_19 : memref<64x768xf32, #tpu.memory_space<vmem>>) offsets(%dma_start3A_22 : memref<64xi32, #tpu.memory_space<vmem>>) semaphore(%arg8 : memref<!tpu.dma_semaphore, #tpu.memory_space<semaphore_mem>>)
    %dma_wait3A = arith.constant 0 : i32
    %dma_wait3A_26 = arith.constant 0 : i32
    %dma_wait3A_27 = arith.constant 0 : i32
    %dma_wait3A_28 = arith.constant 0 : i32
    %dma_wait3A_29 = tpu.memref_slice %arg6[%dma_wait3A_26, %dma_wait3A_27, %dma_wait3A_28] : memref<2x64x768xf32, #tpu.memory_space<vmem>> -> memref<1x64x768xf32, #tpu.memory_space<vmem>>
    %dma_wait3A_30 = tpu.memref_squeeze %dma_wait3A_29 : memref<1x64x768xf32, #tpu.memory_space<vmem>> -> memref<64x768xf32, #tpu.memory_space<vmem>>
    %dma_wait3A_31 = arith.constant 0 : i32
    %dma_wait3A_32 = tpu.memref_slice %arg5[%dma_wait3A, %dma_wait3A_31] : memref<4x64xi32, #tpu.memory_space<vmem>> -> memref<1x64xi32, #tpu.memory_space<vmem>>
    %dma_wait3A_33 = tpu.memref_squeeze %dma_wait3A_32 : memref<1x64xi32, #tpu.memory_space<vmem>> -> memref<64xi32, #tpu.memory_space<vmem>>
    %dma_wait3A_34 = arith.constant 0 : i32
    %dma_wait3A_35 = arith.constant 0 : i32
    %dma_wait3A_36 = tpu.memref_slice %arg2[%dma_wait3A_34, %dma_wait3A_35] : memref<100000x768xf32, #tpu.memory_space<hbm>> -> memref<100000x768xf32, #tpu.memory_space<hbm>>
    tpu.wait_indirect_dma semaphore(%arg7 : memref<!tpu.dma_semaphore, #tpu.memory_space<semaphore_mem>>) src(%dma_wait3A_36 : memref<100000x768xf32, #tpu.memory_space<hbm>>) dst(%dma_wait3A_30 : memref<64x768xf32, #tpu.memory_space<vmem>>)
    %add3A_37 = arith.constant 0 : i32
    %add3A_38 = arith.addi %mul3A_2, %add3A_37 : i32
    %run_scoped3A = arith.constant 0 : i32
    "tpu.region"() ({
      %run_scoped3A_108 = tpu.sem_alloc : memref<!tpu.dma_semaphore, #tpu.memory_space<semaphore_mem>>
      %dma_start3A_109 = arith.constant 0 : i32
      %dma_start3A_110 = arith.constant 0 : i32
      %dma_start3A_111 = tpu.memref_slice %arg6[%run_scoped3A, %dma_start3A_109, %dma_start3A_110] : memref<2x64x768xf32, #tpu.memory_space<vmem>> -> memref<1x64x768xf32, #tpu.memory_space<vmem>>
      %dma_start3A_112 = tpu.memref_squeeze %dma_start3A_111 : memref<1x64x768xf32, #tpu.memory_space<vmem>> -> memref<64x768xf32, #tpu.memory_space<vmem>>
      %dma_start3A_113 = arith.constant 0 : i32
      %dma_start3A_114 = tpu.memref_slice %arg4[%add3A_38, %dma_start3A_113] : memref<8192x768xf32, #tpu.memory_space<hbm>> -> memref<64x768xf32, #tpu.memory_space<hbm>>
      %dma_start3A_115 = arith.constant 0 : i32
      %dma_start3A_116 = tpu.memref_slice %arg4[%add3A_38, %dma_start3A_115] : memref<8192x768xf32, #tpu.memory_space<hbm>> -> memref<64x768xf32, #tpu.memory_space<hbm>>
      %dma_start3A_117 = arith.constant 0 : i32
      %dma_start3A_118 = arith.constant 0 : i32
      %dma_start3A_119 = tpu.memref_slice %arg6[%run_scoped3A, %dma_start3A_117, %dma_start3A_118] : memref<2x64x768xf32, #tpu.memory_space<vmem>> -> memref<1x64x768xf32, #tpu.memory_space<vmem>>
      %dma_start3A_120 = tpu.memref_squeeze %dma_start3A_119 : memref<1x64x768xf32, #tpu.memory_space<vmem>> -> memref<64x768xf32, #tpu.memory_space<vmem>>
      tpu.enqueue_dma source(%dma_start3A_120 : memref<64x768xf32, #tpu.memory_space<vmem>>) target(%dma_start3A_116 : memref<64x768xf32, #tpu.memory_space<hbm>>) target_semaphore(%run_scoped3A_108 : memref<!tpu.dma_semaphore, #tpu.memory_space<semaphore_mem>>)
      %dma_wait3A_121 = arith.constant 0 : i32
      %dma_wait3A_122 = arith.constant 0 : i32
      %dma_wait3A_123 = tpu.memref_slice %arg6[%run_scoped3A, %dma_wait3A_121, %dma_wait3A_122] : memref<2x64x768xf32, #tpu.memory_space<vmem>> -> memref<1x64x768xf32, #tpu.memory_space<vmem>>
      %dma_wait3A_124 = tpu.memref_squeeze %dma_wait3A_123 : memref<1x64x768xf32, #tpu.memory_space<vmem>> -> memref<64x768xf32, #tpu.memory_space<vmem>>
      %dma_wait3A_125 = arith.constant 0 : i32
      %dma_wait3A_126 = tpu.memref_slice %arg4[%add3A_38, %dma_wait3A_125] : memref<8192x768xf32, #tpu.memory_space<hbm>> -> memref<64x768xf32, #tpu.memory_space<hbm>>
      %dma_wait3A_127 = arith.constant 0 : i32
      %dma_wait3A_128 = tpu.memref_slice %arg4[%add3A_38, %dma_wait3A_127] : memref<8192x768xf32, #tpu.memory_space<hbm>> -> memref<64x768xf32, #tpu.memory_space<hbm>>
      %dma_wait3A_129 = arith.constant 0 : i32
      %dma_wait3A_130 = arith.constant 0 : i32
      %dma_wait3A_131 = tpu.memref_slice %arg6[%run_scoped3A, %dma_wait3A_129, %dma_wait3A_130] : memref<2x64x768xf32, #tpu.memory_space<vmem>> -> memref<1x64x768xf32, #tpu.memory_space<vmem>>
      %dma_wait3A_132 = tpu.memref_squeeze %dma_wait3A_131 : memref<1x64x768xf32, #tpu.memory_space<vmem>> -> memref<64x768xf32, #tpu.memory_space<vmem>>
      tpu.wait_dma2 semaphore(%run_scoped3A_108 : memref<!tpu.dma_semaphore, #tpu.memory_space<semaphore_mem>>) src(%dma_wait3A_132 : memref<64x768xf32, #tpu.memory_space<vmem>>) dst(%dma_wait3A_128 : memref<64x768xf32, #tpu.memory_space<hbm>>)
      tpu.yield
    }) : () -> ()
    %dma_start3A_39 = arith.constant 2 : i32
    %dma_start3A_40 = arith.constant 0 : i32
    %dma_start3A_41 = arith.constant 0 : i32
    %dma_start3A_42 = arith.constant 0 : i32
    %dma_start3A_43 = tpu.memref_slice %arg6[%dma_start3A_40, %dma_start3A_41, %dma_start3A_42] : memref<2x64x768xf32, #tpu.memory_space<vmem>> -> memref<1x64x768xf32, #tpu.memory_space<vmem>>
    %dma_start3A_44 = tpu.memref_squeeze %dma_start3A_43 : memref<1x64x768xf32, #tpu.memory_space<vmem>> -> memref<64x768xf32, #tpu.memory_space<vmem>>
    %dma_start3A_45 = arith.constant 0 : i32
    %dma_start3A_46 = tpu.memref_slice %arg5[%dma_start3A_39, %dma_start3A_45] : memref<4x64xi32, #tpu.memory_space<vmem>> -> memref<1x64xi32, #tpu.memory_space<vmem>>
    %dma_start3A_47 = tpu.memref_squeeze %dma_start3A_46 : memref<1x64xi32, #tpu.memory_space<vmem>> -> memref<64xi32, #tpu.memory_space<vmem>>
    %dma_start3A_48 = arith.constant 0 : i32
    %dma_start3A_49 = arith.constant 0 : i32
    %dma_start3A_50 = tpu.memref_slice %arg2[%dma_start3A_48, %dma_start3A_49] : memref<100000x768xf32, #tpu.memory_space<hbm>> -> memref<100000x768xf32, #tpu.memory_space<hbm>>
    tpu.enqueue_indirect_dma source(%dma_start3A_50 : memref<100000x768xf32, #tpu.memory_space<hbm>>) target(%dma_start3A_44 : memref<64x768xf32, #tpu.memory_space<vmem>>) offsets(%dma_start3A_47 : memref<64xi32, #tpu.memory_space<vmem>>) semaphore(%arg7 : memref<!tpu.dma_semaphore, #tpu.memory_space<semaphore_mem>>)
    %dma_wait3A_51 = arith.constant 1 : i32
    %dma_wait3A_52 = arith.constant 1 : i32
    %dma_wait3A_53 = arith.constant 0 : i32
    %dma_wait3A_54 = arith.constant 0 : i32
    %dma_wait3A_55 = tpu.memref_slice %arg6[%dma_wait3A_52, %dma_wait3A_53, %dma_wait3A_54] : memref<2x64x768xf32, #tpu.memory_space<vmem>> -> memref<1x64x768xf32, #tpu.memory_space<vmem>>
    %dma_wait3A_56 = tpu.memref_squeeze %dma_wait3A_55 : memref<1x64x768xf32, #tpu.memory_space<vmem>> -> memref<64x768xf32, #tpu.memory_space<vmem>>
    %dma_wait3A_57 = arith.constant 0 : i32
    %dma_wait3A_58 = tpu.memref_slice %arg5[%dma_wait3A_51, %dma_wait3A_57] : memref<4x64xi32, #tpu.memory_space<vmem>> -> memref<1x64xi32, #tpu.memory_space<vmem>>
    %dma_wait3A_59 = tpu.memref_squeeze %dma_wait3A_58 : memref<1x64xi32, #tpu.memory_space<vmem>> -> memref<64xi32, #tpu.memory_space<vmem>>
    %dma_wait3A_60 = arith.constant 0 : i32
    %dma_wait3A_61 = arith.constant 0 : i32
    %dma_wait3A_62 = tpu.memref_slice %arg2[%dma_wait3A_60, %dma_wait3A_61] : memref<100000x768xf32, #tpu.memory_space<hbm>> -> memref<100000x768xf32, #tpu.memory_space<hbm>>
    tpu.wait_indirect_dma semaphore(%arg8 : memref<!tpu.dma_semaphore, #tpu.memory_space<semaphore_mem>>) src(%dma_wait3A_62 : memref<100000x768xf32, #tpu.memory_space<hbm>>) dst(%dma_wait3A_56 : memref<64x768xf32, #tpu.memory_space<vmem>>)
    %add3A_63 = arith.constant 64 : i32
    %add3A_64 = arith.addi %mul3A_2, %add3A_63 : i32
    %run_scoped3A_65 = arith.constant 1 : i32
    "tpu.region"() ({
      %run_scoped3A_108 = tpu.sem_alloc : memref<!tpu.dma_semaphore, #tpu.memory_space<semaphore_mem>>
      %dma_start3A_109 = arith.constant 0 : i32
      %dma_start3A_110 = arith.constant 0 : i32
      %dma_start3A_111 = tpu.memref_slice %arg6[%run_scoped3A_65, %dma_start3A_109, %dma_start3A_110] : memref<2x64x768xf32, #tpu.memory_space<vmem>> -> memref<1x64x768xf32, #tpu.memory_space<vmem>>
      %dma_start3A_112 = tpu.memref_squeeze %dma_start3A_111 : memref<1x64x768xf32, #tpu.memory_space<vmem>> -> memref<64x768xf32, #tpu.memory_space<vmem>>
      %dma_start3A_113 = arith.constant 0 : i32
      %dma_start3A_114 = tpu.memref_slice %arg4[%add3A_64, %dma_start3A_113] : memref<8192x768xf32, #tpu.memory_space<hbm>> -> memref<64x768xf32, #tpu.memory_space<hbm>>
      %dma_start3A_115 = arith.constant 0 : i32
      %dma_start3A_116 = tpu.memref_slice %arg4[%add3A_64, %dma_start3A_115] : memref<8192x768xf32, #tpu.memory_space<hbm>> -> memref<64x768xf32, #tpu.memory_space<hbm>>
      %dma_start3A_117 = arith.constant 0 : i32
      %dma_start3A_118 = arith.constant 0 : i32
      %dma_start3A_119 = tpu.memref_slice %arg6[%run_scoped3A_65, %dma_start3A_117, %dma_start3A_118] : memref<2x64x768xf32, #tpu.memory_space<vmem>> -> memref<1x64x768xf32, #tpu.memory_space<vmem>>
      %dma_start3A_120 = tpu.memref_squeeze %dma_start3A_119 : memref<1x64x768xf32, #tpu.memory_space<vmem>> -> memref<64x768xf32, #tpu.memory_space<vmem>>
      tpu.enqueue_dma source(%dma_start3A_120 : memref<64x768xf32, #tpu.memory_space<vmem>>) target(%dma_start3A_116 : memref<64x768xf32, #tpu.memory_space<hbm>>) target_semaphore(%run_scoped3A_108 : memref<!tpu.dma_semaphore, #tpu.memory_space<semaphore_mem>>)
      %dma_wait3A_121 = arith.constant 0 : i32
      %dma_wait3A_122 = arith.constant 0 : i32
      %dma_wait3A_123 = tpu.memref_slice %arg6[%run_scoped3A_65, %dma_wait3A_121, %dma_wait3A_122] : memref<2x64x768xf32, #tpu.memory_space<vmem>> -> memref<1x64x768xf32, #tpu.memory_space<vmem>>
      %dma_wait3A_124 = tpu.memref_squeeze %dma_wait3A_123 : memref<1x64x768xf32, #tpu.memory_space<vmem>> -> memref<64x768xf32, #tpu.memory_space<vmem>>
      %dma_wait3A_125 = arith.constant 0 : i32
      %dma_wait3A_126 = tpu.memref_slice %arg4[%add3A_64, %dma_wait3A_125] : memref<8192x768xf32, #tpu.memory_space<hbm>> -> memref<64x768xf32, #tpu.memory_space<hbm>>
      %dma_wait3A_127 = arith.constant 0 : i32
      %dma_wait3A_128 = tpu.memref_slice %arg4[%add3A_64, %dma_wait3A_127] : memref<8192x768xf32, #tpu.memory_space<hbm>> -> memref<64x768xf32, #tpu.memory_space<hbm>>
      %dma_wait3A_129 = arith.constant 0 : i32
      %dma_wait3A_130 = arith.constant 0 : i32
      %dma_wait3A_131 = tpu.memref_slice %arg6[%run_scoped3A_65, %dma_wait3A_129, %dma_wait3A_130] : memref<2x64x768xf32, #tpu.memory_space<vmem>> -> memref<1x64x768xf32, #tpu.memory_space<vmem>>
      %dma_wait3A_132 = tpu.memref_squeeze %dma_wait3A_131 : memref<1x64x768xf32, #tpu.memory_space<vmem>> -> memref<64x768xf32, #tpu.memory_space<vmem>>
      tpu.wait_dma2 semaphore(%run_scoped3A_108 : memref<!tpu.dma_semaphore, #tpu.memory_space<semaphore_mem>>) src(%dma_wait3A_132 : memref<64x768xf32, #tpu.memory_space<vmem>>) dst(%dma_wait3A_128 : memref<64x768xf32, #tpu.memory_space<hbm>>)
      tpu.yield
    }) : () -> ()
    %dma_start3A_66 = arith.constant 3 : i32
    %dma_start3A_67 = arith.constant 1 : i32
    %dma_start3A_68 = arith.constant 0 : i32
    %dma_start3A_69 = arith.constant 0 : i32
    %dma_start3A_70 = tpu.memref_slice %arg6[%dma_start3A_67, %dma_start3A_68, %dma_start3A_69] : memref<2x64x768xf32, #tpu.memory_space<vmem>> -> memref<1x64x768xf32, #tpu.memory_space<vmem>>
    %dma_start3A_71 = tpu.memref_squeeze %dma_start3A_70 : memref<1x64x768xf32, #tpu.memory_space<vmem>> -> memref<64x768xf32, #tpu.memory_space<vmem>>
    %dma_start3A_72 = arith.constant 0 : i32
    %dma_start3A_73 = tpu.memref_slice %arg5[%dma_start3A_66, %dma_start3A_72] : memref<4x64xi32, #tpu.memory_space<vmem>> -> memref<1x64xi32, #tpu.memory_space<vmem>>
    %dma_start3A_74 = tpu.memref_squeeze %dma_start3A_73 : memref<1x64xi32, #tpu.memory_space<vmem>> -> memref<64xi32, #tpu.memory_space<vmem>>
    %dma_start3A_75 = arith.constant 0 : i32
    %dma_start3A_76 = arith.constant 0 : i32
    %dma_start3A_77 = tpu.memref_slice %arg2[%dma_start3A_75, %dma_start3A_76] : memref<100000x768xf32, #tpu.memory_space<hbm>> -> memref<100000x768xf32, #tpu.memory_space<hbm>>
    tpu.enqueue_indirect_dma source(%dma_start3A_77 : memref<100000x768xf32, #tpu.memory_space<hbm>>) target(%dma_start3A_71 : memref<64x768xf32, #tpu.memory_space<vmem>>) offsets(%dma_start3A_74 : memref<64xi32, #tpu.memory_space<vmem>>) semaphore(%arg8 : memref<!tpu.dma_semaphore, #tpu.memory_space<semaphore_mem>>)
    %dma_wait3A_78 = arith.constant 2 : i32
    %dma_wait3A_79 = arith.constant 0 : i32
    %dma_wait3A_80 = arith.constant 0 : i32
    %dma_wait3A_81 = arith.constant 0 : i32
    %dma_wait3A_82 = tpu.memref_slice %arg6[%dma_wait3A_79, %dma_wait3A_80, %dma_wait3A_81] : memref<2x64x768xf32, #tpu.memory_space<vmem>> -> memref<1x64x768xf32, #tpu.memory_space<vmem>>
    %dma_wait3A_83 = tpu.memref_squeeze %dma_wait3A_82 : memref<1x64x768xf32, #tpu.memory_space<vmem>> -> memref<64x768xf32, #tpu.memory_space<vmem>>
    %dma_wait3A_84 = arith.constant 0 : i32
    %dma_wait3A_85 = tpu.memref_slice %arg5[%dma_wait3A_78, %dma_wait3A_84] : memref<4x64xi32, #tpu.memory_space<vmem>> -> memref<1x64xi32, #tpu.memory_space<vmem>>
    %dma_wait3A_86 = tpu.memref_squeeze %dma_wait3A_85 : memref<1x64xi32, #tpu.memory_space<vmem>> -> memref<64xi32, #tpu.memory_space<vmem>>
    %dma_wait3A_87 = arith.constant 0 : i32
    %dma_wait3A_88 = arith.constant 0 : i32
    %dma_wait3A_89 = tpu.memref_slice %arg2[%dma_wait3A_87, %dma_wait3A_88] : memref<100000x768xf32, #tpu.memory_space<hbm>> -> memref<100000x768xf32, #tpu.memory_space<hbm>>
    tpu.wait_indirect_dma semaphore(%arg7 : memref<!tpu.dma_semaphore, #tpu.memory_space<semaphore_mem>>) src(%dma_wait3A_89 : memref<100000x768xf32, #tpu.memory_space<hbm>>) dst(%dma_wait3A_83 : memref<64x768xf32, #tpu.memory_space<vmem>>)
    %add3A_90 = arith.constant 128 : i32
    %add3A_91 = arith.addi %mul3A_2, %add3A_90 : i32
    %run_scoped3A_92 = arith.constant 0 : i32
    "tpu.region"() ({
      %run_scoped3A_108 = tpu.sem_alloc : memref<!tpu.dma_semaphore, #tpu.memory_space<semaphore_mem>>
      %dma_start3A_109 = arith.constant 0 : i32
      %dma_start3A_110 = arith.constant 0 : i32
      %dma_start3A_111 = tpu.memref_slice %arg6[%run_scoped3A_92, %dma_start3A_109, %dma_start3A_110] : memref<2x64x768xf32, #tpu.memory_space<vmem>> -> memref<1x64x768xf32, #tpu.memory_space<vmem>>
      %dma_start3A_112 = tpu.memref_squeeze %dma_start3A_111 : memref<1x64x768xf32, #tpu.memory_space<vmem>> -> memref<64x768xf32, #tpu.memory_space<vmem>>
      %dma_start3A_113 = arith.constant 0 : i32
      %dma_start3A_114 = tpu.memref_slice %arg4[%add3A_91, %dma_start3A_113] : memref<8192x768xf32, #tpu.memory_space<hbm>> -> memref<64x768xf32, #tpu.memory_space<hbm>>
      %dma_start3A_115 = arith.constant 0 : i32
      %dma_start3A_116 = tpu.memref_slice %arg4[%add3A_91, %dma_start3A_115] : memref<8192x768xf32, #tpu.memory_space<hbm>> -> memref<64x768xf32, #tpu.memory_space<hbm>>
      %dma_start3A_117 = arith.constant 0 : i32
      %dma_start3A_118 = arith.constant 0 : i32
      %dma_start3A_119 = tpu.memref_slice %arg6[%run_scoped3A_92, %dma_start3A_117, %dma_start3A_118] : memref<2x64x768xf32, #tpu.memory_space<vmem>> -> memref<1x64x768xf32, #tpu.memory_space<vmem>>
      %dma_start3A_120 = tpu.memref_squeeze %dma_start3A_119 : memref<1x64x768xf32, #tpu.memory_space<vmem>> -> memref<64x768xf32, #tpu.memory_space<vmem>>
      tpu.enqueue_dma source(%dma_start3A_120 : memref<64x768xf32, #tpu.memory_space<vmem>>) target(%dma_start3A_116 : memref<64x768xf32, #tpu.memory_space<hbm>>) target_semaphore(%run_scoped3A_108 : memref<!tpu.dma_semaphore, #tpu.memory_space<semaphore_mem>>)
      %dma_wait3A_121 = arith.constant 0 : i32
      %dma_wait3A_122 = arith.constant 0 : i32
      %dma_wait3A_123 = tpu.memref_slice %arg6[%run_scoped3A_92, %dma_wait3A_121, %dma_wait3A_122] : memref<2x64x768xf32, #tpu.memory_space<vmem>> -> memref<1x64x768xf32, #tpu.memory_space<vmem>>
      %dma_wait3A_124 = tpu.memref_squeeze %dma_wait3A_123 : memref<1x64x768xf32, #tpu.memory_space<vmem>> -> memref<64x768xf32, #tpu.memory_space<vmem>>
      %dma_wait3A_125 = arith.constant 0 : i32
      %dma_wait3A_126 = tpu.memref_slice %arg4[%add3A_91, %dma_wait3A_125] : memref<8192x768xf32, #tpu.memory_space<hbm>> -> memref<64x768xf32, #tpu.memory_space<hbm>>
      %dma_wait3A_127 = arith.constant 0 : i32
      %dma_wait3A_128 = tpu.memref_slice %arg4[%add3A_91, %dma_wait3A_127] : memref<8192x768xf32, #tpu.memory_space<hbm>> -> memref<64x768xf32, #tpu.memory_space<hbm>>
      %dma_wait3A_129 = arith.constant 0 : i32
      %dma_wait3A_130 = arith.constant 0 : i32
      %dma_wait3A_131 = tpu.memref_slice %arg6[%run_scoped3A_92, %dma_wait3A_129, %dma_wait3A_130] : memref<2x64x768xf32, #tpu.memory_space<vmem>> -> memref<1x64x768xf32, #tpu.memory_space<vmem>>
      %dma_wait3A_132 = tpu.memref_squeeze %dma_wait3A_131 : memref<1x64x768xf32, #tpu.memory_space<vmem>> -> memref<64x768xf32, #tpu.memory_space<vmem>>
      tpu.wait_dma2 semaphore(%run_scoped3A_108 : memref<!tpu.dma_semaphore, #tpu.memory_space<semaphore_mem>>) src(%dma_wait3A_132 : memref<64x768xf32, #tpu.memory_space<vmem>>) dst(%dma_wait3A_128 : memref<64x768xf32, #tpu.memory_space<hbm>>)
      tpu.yield
    }) : () -> ()
    %dma_wait3A_93 = arith.constant 3 : i32
    %dma_wait3A_94 = arith.constant 1 : i32
    %dma_wait3A_95 = arith.constant 0 : i32
    %dma_wait3A_96 = arith.constant 0 : i32
    %dma_wait3A_97 = tpu.memref_slice %arg6[%dma_wait3A_94, %dma_wait3A_95, %dma_wait3A_96] : memref<2x64x768xf32, #tpu.memory_space<vmem>> -> memref<1x64x768xf32, #tpu.memory_space<vmem>>
    %dma_wait3A_98 = tpu.memref_squeeze %dma_wait3A_97 : memref<1x64x768xf32, #tpu.memory_space<vmem>> -> memref<64x768xf32, #tpu.memory_space<vmem>>
    %dma_wait3A_99 = arith.constant 0 : i32
    %dma_wait3A_100 = tpu.memref_slice %arg5[%dma_wait3A_93, %dma_wait3A_99] : memref<4x64xi32, #tpu.memory_space<vmem>> -> memref<1x64xi32, #tpu.memory_space<vmem>>
    %dma_wait3A_101 = tpu.memref_squeeze %dma_wait3A_100 : memref<1x64xi32, #tpu.memory_space<vmem>> -> memref<64xi32, #tpu.memory_space<vmem>>
    %dma_wait3A_102 = arith.constant 0 : i32
    %dma_wait3A_103 = arith.constant 0 : i32
    %dma_wait3A_104 = tpu.memref_slice %arg2[%dma_wait3A_102, %dma_wait3A_103] : memref<100000x768xf32, #tpu.memory_space<hbm>> -> memref<100000x768xf32, #tpu.memory_space<hbm>>
    tpu.wait_indirect_dma semaphore(%arg8 : memref<!tpu.dma_semaphore, #tpu.memory_space<semaphore_mem>>) src(%dma_wait3A_104 : memref<100000x768xf32, #tpu.memory_space<hbm>>) dst(%dma_wait3A_98 : memref<64x768xf32, #tpu.memory_space<vmem>>)
    %add3A_105 = arith.constant 192 : i32
    %add3A_106 = arith.addi %mul3A_2, %add3A_105 : i32
    %run_scoped3A_107 = arith.constant 1 : i32
    "tpu.region"() ({
      %run_scoped3A_108 = tpu.sem_alloc : memref<!tpu.dma_semaphore, #tpu.memory_space<semaphore_mem>>
      %dma_start3A_109 = arith.constant 0 : i32
      %dma_start3A_110 = arith.constant 0 : i32
      %dma_start3A_111 = tpu.memref_slice %arg6[%run_scoped3A_107, %dma_start3A_109, %dma_start3A_110] : memref<2x64x768xf32, #tpu.memory_space<vmem>> -> memref<1x64x768xf32, #tpu.memory_space<vmem>>
      %dma_start3A_112 = tpu.memref_squeeze %dma_start3A_111 : memref<1x64x768xf32, #tpu.memory_space<vmem>> -> memref<64x768xf32, #tpu.memory_space<vmem>>
      %dma_start3A_113 = arith.constant 0 : i32
      %dma_start3A_114 = tpu.memref_slice %arg4[%add3A_106, %dma_start3A_113] : memref<8192x768xf32, #tpu.memory_space<hbm>> -> memref<64x768xf32, #tpu.memory_space<hbm>>
      %dma_start3A_115 = arith.constant 0 : i32
      %dma_start3A_116 = tpu.memref_slice %arg4[%add3A_106, %dma_start3A_115] : memref<8192x768xf32, #tpu.memory_space<hbm>> -> memref<64x768xf32, #tpu.memory_space<hbm>>
      %dma_start3A_117 = arith.constant 0 : i32
      %dma_start3A_118 = arith.constant 0 : i32
      %dma_start3A_119 = tpu.memref_slice %arg6[%run_scoped3A_107, %dma_start3A_117, %dma_start3A_118] : memref<2x64x768xf32, #tpu.memory_space<vmem>> -> memref<1x64x768xf32, #tpu.memory_space<vmem>>
      %dma_start3A_120 = tpu.memref_squeeze %dma_start3A_119 : memref<1x64x768xf32, #tpu.memory_space<vmem>> -> memref<64x768xf32, #tpu.memory_space<vmem>>
      tpu.enqueue_dma source(%dma_start3A_120 : memref<64x768xf32, #tpu.memory_space<vmem>>) target(%dma_start3A_116 : memref<64x768xf32, #tpu.memory_space<hbm>>) target_semaphore(%run_scoped3A_108 : memref<!tpu.dma_semaphore, #tpu.memory_space<semaphore_mem>>)
      %dma_wait3A_121 = arith.constant 0 : i32
      %dma_wait3A_122 = arith.constant 0 : i32
      %dma_wait3A_123 = tpu.memref_slice %arg6[%run_scoped3A_107, %dma_wait3A_121, %dma_wait3A_122] : memref<2x64x768xf32, #tpu.memory_space<vmem>> -> memref<1x64x768xf32, #tpu.memory_space<vmem>>
      %dma_wait3A_124 = tpu.memref_squeeze %dma_wait3A_123 : memref<1x64x768xf32, #tpu.memory_space<vmem>> -> memref<64x768xf32, #tpu.memory_space<vmem>>
      %dma_wait3A_125 = arith.constant 0 : i32
      %dma_wait3A_126 = tpu.memref_slice %arg4[%add3A_106, %dma_wait3A_125] : memref<8192x768xf32, #tpu.memory_space<hbm>> -> memref<64x768xf32, #tpu.memory_space<hbm>>
      %dma_wait3A_127 = arith.constant 0 : i32
      %dma_wait3A_128 = tpu.memref_slice %arg4[%add3A_106, %dma_wait3A_127] : memref<8192x768xf32, #tpu.memory_space<hbm>> -> memref<64x768xf32, #tpu.memory_space<hbm>>
      %dma_wait3A_129 = arith.constant 0 : i32
      %dma_wait3A_130 = arith.constant 0 : i32
      %dma_wait3A_131 = tpu.memref_slice %arg6[%run_scoped3A_107, %dma_wait3A_129, %dma_wait3A_130] : memref<2x64x768xf32, #tpu.memory_space<vmem>> -> memref<1x64x768xf32, #tpu.memory_space<vmem>>
      %dma_wait3A_132 = tpu.memref_squeeze %dma_wait3A_131 : memref<1x64x768xf32, #tpu.memory_space<vmem>> -> memref<64x768xf32, #tpu.memory_space<vmem>>
      tpu.wait_dma2 semaphore(%run_scoped3A_108 : memref<!tpu.dma_semaphore, #tpu.memory_space<semaphore_mem>>) src(%dma_wait3A_132 : memref<64x768xf32, #tpu.memory_space<vmem>>) dst(%dma_wait3A_128 : memref<64x768xf32, #tpu.memory_space<hbm>>)
      tpu.yield
    }) : () -> ()
    return
  }
}

module attributes {stable_mosaic.version = 14 : i64} {
  func.func @_pos_body(%arg0: i32, %arg1: memref<1024x768xf32, #tpu.memory_space<vmem>>, %arg2: memref<1024x768xf32, #tpu.memory_space<vmem>>) attributes {dimension_semantics = [#tpu.dimension_semantics<arbitrary>], iteration_bounds = array<i64: 2>, scalar_prefetch = 0 : i64, scratch_operands = 1 : i64, tpu.core_type = #tpu.core_type<tc>, window_params = [{transform_indices = @transform_0, window_bounds = array<i64: 1024, 768>}]} {
    %iota3A = tpu.iota {dimensions = array<i32: 1>} : vector<1x768xi32>
    %lt3A = arith.constant 384 : i32
    %lt3A_0 = vector.broadcast %lt3A : i32 to vector<1x768xi32>
    %lt3A_1 = arith.cmpi slt, %iota3A, %lt3A_0 : vector<1x768xi32>
    %sub3A = arith.constant 384 : i32
    %sub3A_2 = vector.broadcast %sub3A : i32 to vector<1x768xi32>
    %sub3A_3 = arith.subi %iota3A, %sub3A_2 : vector<1x768xi32>
    %select_n3A = arith.select %lt3A_1, %iota3A, %sub3A_3 : vector<1x768xi1>, vector<1x768xi32>
    %convert_element_type3A = arith.sitofp %select_n3A : vector<1x768xi32> to vector<1x768xf32>
    %log3A = arith.constant 1.000000e+04 : f32
    %log3A_4 = math.log %log3A : f32
    %mul3A = arith.constant -2.000000e+00 : f32
    %mul3A_5 = arith.mulf %mul3A, %log3A_4 : f32
    %div3A = arith.constant 7.680000e+02 : f32
    %div3A_6 = arith.divf %mul3A_5, %div3A : f32
    %mul3A_7 = vector.broadcast %div3A_6 : f32 to vector<1x768xf32>
    %mul3A_8 = arith.mulf %convert_element_type3A, %mul3A_7 : vector<1x768xf32>
    %exp3A = math.exp %mul3A_8 : vector<1x768xf32>
    %eq3A = arith.constant 0 : i32
    %eq3A_9 = arith.cmpi eq, %arg0, %eq3A : i32
    %convert_element_type3A_10 = arith.extui %eq3A_9 : i1 to i32
    %cond3A = arith.constant 0 : i32
    %cond3A_11 = arith.cmpi ne, %convert_element_type3A_10, %cond3A : i32
    scf.if %cond3A_11 {
      %iota3A_16 = tpu.iota {dimensions = array<i32: 0>} : vector<1024x1xi32>
      %convert_element_type3A_17 = arith.sitofp %iota3A_16 : vector<1024x1xi32> to vector<1024x1xf32>
      %lt3A_18 = arith.constant 384 : i32
      %lt3A_19 = vector.broadcast %lt3A_18 : i32 to vector<1x768xi32>
      %lt3A_20 = arith.cmpi slt, %iota3A, %lt3A_19 : vector<1x768xi32>
      %jit3A = arith.constant 0.000000e+00 : f32
      %jit3A_21 = arith.constant 1.57079637 : f32
      %broadcast_in_dim3A = vector.broadcast %jit3A : f32 to vector<1x768xf32>
      %broadcast_in_dim3A_22 = vector.broadcast %jit3A_21 : f32 to vector<1x768xf32>
      %select_n3A_23 = arith.select %lt3A_20, %broadcast_in_dim3A, %broadcast_in_dim3A_22 : vector<1x768xi1>, vector<1x768xf32>
      %mul3A_24 = vector.broadcast %convert_element_type3A_17 : vector<1024x1xf32> to vector<1024x768xf32>
      %mul3A_25 = vector.broadcast %exp3A : vector<1x768xf32> to vector<1024x768xf32>
      %mul3A_26 = arith.mulf %mul3A_24, %mul3A_25 : vector<1024x768xf32>
      %add3A = vector.broadcast %select_n3A_23 : vector<1x768xf32> to vector<1024x768xf32>
      %add3A_27 = arith.addf %mul3A_26, %add3A : vector<1024x768xf32>
      %sin3A = math.sin %add3A_27 : vector<1024x768xf32>
      %swap3A = arith.constant 0 : index
      %swap3A_28 = arith.constant 0 : index
      %swap3A_29 = vector.load %arg1[%swap3A, %swap3A_28] : memref<1024x768xf32, #tpu.memory_space<vmem>>, vector<1024x768xf32>
      tpu.vector_store %arg1[%swap3A, %swap3A_28], %sin3A {strides = array<i32>} : memref<1024x768xf32, #tpu.memory_space<vmem>>, vector<1024x768xf32>,
      %swap3A_30 = arith.constant 0 : index
      %swap3A_31 = arith.constant 0 : index
      %swap3A_32 = vector.load %arg2[%swap3A_30, %swap3A_31] : memref<1024x768xf32, #tpu.memory_space<vmem>>, vector<1024x768xf32>
      tpu.vector_store %arg2[%swap3A_30, %swap3A_31], %sin3A {strides = array<i32>} : memref<1024x768xf32, #tpu.memory_space<vmem>>, vector<1024x768xf32>,
    } else {
    }
    %gt3A = arith.constant 0 : i32
    %gt3A_12 = arith.cmpi sgt, %arg0, %gt3A : i32
    %convert_element_type3A_13 = arith.extui %gt3A_12 : i1 to i32
    %cond3A_14 = arith.constant 0 : i32
    %cond3A_15 = arith.cmpi ne, %convert_element_type3A_13, %cond3A_14 : i32
    scf.if %cond3A_15 {
      %mul3A_16 = arith.constant 1.024000e+03 : f32
      %mul3A_17 = vector.broadcast %mul3A_16 : f32 to vector<1x768xf32>
      %mul3A_18 = arith.mulf %mul3A_17, %exp3A : vector<1x768xf32>
      %sin3A = math.sin %mul3A_18 : vector<1x768xf32>
      %mul3A_19 = arith.constant 1.024000e+03 : f32
      %mul3A_20 = vector.broadcast %mul3A_19 : f32 to vector<1x768xf32>
      %mul3A_21 = arith.mulf %mul3A_20, %exp3A : vector<1x768xf32>
      %add3A = arith.constant 1.57079637 : f32
      %add3A_22 = vector.broadcast %add3A : f32 to vector<1x768xf32>
      %add3A_23 = arith.addf %mul3A_21, %add3A_22 : vector<1x768xf32>
      %sin3A_24 = math.sin %add3A_23 : vector<1x768xf32>
      %get3A = arith.constant 0 : index
      %get3A_25 = arith.constant 0 : index
      %get3A_26 = vector.load %arg2[%get3A, %get3A_25] : memref<1024x768xf32, #tpu.memory_space<vmem>>, vector<1024x768xf32>
      %slice3A = vector.extract_strided_slice %get3A_26 {offsets = [0, 384], sizes = [1024, 384], strides = [1, 1]} : vector<1024x768xf32> to vector<1024x384xf32>
      %slice3A_27 = vector.extract_strided_slice %get3A_26 {offsets = [0, 0], sizes = [1024, 384], strides = [1, 1]} : vector<1024x768xf32> to vector<1024x384xf32>
      %concatenate3A = tpu.concatenate %slice3A, %slice3A_27 in 1 : vector<1024x384xf32>, vector<1024x384xf32> -> vector<1024x768xf32>
      %lt3A_28 = arith.constant 384 : i32
      %lt3A_29 = vector.broadcast %lt3A_28 : i32 to vector<1x768xi32>
      %lt3A_30 = arith.cmpi slt, %iota3A, %lt3A_29 : vector<1x768xi32>
      %jit3A = arith.constant 1.000000e+00 : f32
      %jit3A_31 = arith.constant -1.000000e+00 : f32
      %broadcast_in_dim3A = vector.broadcast %jit3A : f32 to vector<1x768xf32>
      %broadcast_in_dim3A_32 = vector.broadcast %jit3A_31 : f32 to vector<1x768xf32>
      %select_n3A_33 = arith.select %lt3A_30, %broadcast_in_dim3A, %broadcast_in_dim3A_32 : vector<1x768xi1>, vector<1x768xf32>
      %mul3A_34 = vector.broadcast %sin3A_24 : vector<1x768xf32> to vector<1024x768xf32>
      %mul3A_35 = arith.mulf %get3A_26, %mul3A_34 : vector<1024x768xf32>
      %mul3A_36 = vector.broadcast %select_n3A_33 : vector<1x768xf32> to vector<1024x768xf32>
      %mul3A_37 = arith.mulf %mul3A_36, %concatenate3A : vector<1024x768xf32>
      %mul3A_38 = vector.broadcast %sin3A : vector<1x768xf32> to vector<1024x768xf32>
      %mul3A_39 = arith.mulf %mul3A_37, %mul3A_38 : vector<1024x768xf32>
      %add3A_40 = arith.addf %mul3A_35, %mul3A_39 : vector<1024x768xf32>
      %swap3A = arith.constant 0 : index
      %swap3A_41 = arith.constant 0 : index
      %swap3A_42 = vector.load %arg1[%swap3A, %swap3A_41] : memref<1024x768xf32, #tpu.memory_space<vmem>>, vector<1024x768xf32>
      tpu.vector_store %arg1[%swap3A, %swap3A_41], %add3A_40 {strides = array<i32>} : memref<1024x768xf32, #tpu.memory_space<vmem>>, vector<1024x768xf32>,
      %swap3A_43 = arith.constant 0 : index
      %swap3A_44 = arith.constant 0 : index
      %swap3A_45 = vector.load %arg2[%swap3A_43, %swap3A_44] : memref<1024x768xf32, #tpu.memory_space<vmem>>, vector<1024x768xf32>
      tpu.vector_store %arg2[%swap3A_43, %swap3A_44], %add3A_40 {strides = array<i32>} : memref<1024x768xf32, #tpu.memory_space<vmem>>, vector<1024x768xf32>,
    } else {
    }
    return
  }
  func.func @transform_0(%arg0: i32) -> (i32, i32) {
    %c0_i32 = arith.constant 0 : i32
    %c0_i32_0 = arith.constant 0 : i32
    return %arg0, %c0_i32 : i32, i32
  }
}

module attributes {stable_mosaic.version = 14 : i64} {
  func.func @_tc_fuse_body(%arg0: i32, %arg1: i32, %arg2: memref<1024x768xf32, #tpu.memory_space<vmem>>, %arg3: memref<1024x768xf32, #tpu.memory_space<vmem>>, %arg4: memref<1x1x1024xf32, #tpu.memory_space<vmem>>, %arg5: memref<2x768xf32, #tpu.memory_space<vmem>>, %arg6: memref<1x768xf32, #tpu.memory_space<vmem>>, %arg7: memref<1x768xf32, #tpu.memory_space<vmem>>, %arg8: memref<1024x768xf32, #tpu.memory_space<vmem>>) attributes {dimension_semantics = [#tpu.dimension_semantics<arbitrary>, #tpu.dimension_semantics<arbitrary>], iteration_bounds = array<i64: 2, 4>, scalar_prefetch = 0 : i64, scratch_operands = 0 : i64, tpu.core_type = #tpu.core_type<tc>, window_params = [{transform_indices = @transform_0, window_bounds = array<i64: 1024, 768>}, {transform_indices = @transform_1, window_bounds = array<i64: 1024, 768>}, {transform_indices = @transform_2, window_bounds = array<i64: 1, 1, 1024>}, {pipeline_mode = #tpu.pipeline_mode<synchronous>, transform_indices = @transform_3, window_bounds = array<i64: 2, 768>}, {pipeline_mode = #tpu.pipeline_mode<synchronous>, transform_indices = @transform_4, window_bounds = array<i64: 1, 768>}, {pipeline_mode = #tpu.pipeline_mode<synchronous>, transform_indices = @transform_5, window_bounds = array<i64: 1, 768>}, {transform_indices = @transform_6, window_bounds = array<i64: 1024, 768>}]} {
    %get3A = arith.constant 0 : index
    %get3A_0 = arith.constant 0 : index
    %get3A_1 = vector.load %arg2[%get3A, %get3A_0] : memref<1024x768xf32, #tpu.memory_space<vmem>>, vector<1024x768xf32>
    %get3A_2 = arith.constant 0 : index
    %get3A_3 = arith.constant 0 : index
    %get3A_4 = arith.constant 0 : index
    %get3A_5 = vector.load %arg4[%get3A_2, %get3A_3, %get3A_4] : memref<1x1x1024xf32, #tpu.memory_space<vmem>>, vector<1x1x1024xf32>
    %get3A_6 = vector.shape_cast %get3A_5 : vector<1x1x1024xf32> to vector<1x1024xf32>
    %transpose3A = tpu.transpose %get3A_6, [1, 0] : vector<1x1024xf32> -> vector<1024x1xf32>
    %get3A_7 = arith.constant 0 : index
    %get3A_8 = arith.constant 0 : index
    %get3A_9 = vector.load %arg5[%get3A_7, %get3A_8] : memref<2x768xf32, #tpu.memory_space<vmem>>, vector<1x768xf32>
    %get3A_10 = arith.constant 1 : index
    %get3A_11 = arith.constant 0 : index
    %get3A_12 = vector.load %arg5[%get3A_10, %get3A_11] : memref<2x768xf32, #tpu.memory_space<vmem>>, vector<1x768xf32>
    %get3A_13 = arith.constant 0 : index
    %get3A_14 = arith.constant 0 : index
    %get3A_15 = vector.load %arg5[%get3A_13, %get3A_14] : memref<2x768xf32, #tpu.memory_space<vmem>>, vector<1x768xf32>
    %sub3A = arith.subf %get3A_12, %get3A_15 : vector<1x768xf32>
    %mul3A = vector.broadcast %transpose3A : vector<1024x1xf32> to vector<1024x768xf32>
    %mul3A_16 = vector.broadcast %sub3A : vector<1x768xf32> to vector<1024x768xf32>
    %mul3A_17 = arith.mulf %mul3A, %mul3A_16 : vector<1024x768xf32>
    %add3A = vector.broadcast %get3A_9 : vector<1x768xf32> to vector<1024x768xf32>
    %add3A_18 = arith.addf %add3A, %mul3A_17 : vector<1024x768xf32>
    %get3A_19 = arith.constant 0 : index
    %get3A_20 = arith.constant 0 : index
    %get3A_21 = vector.load %arg3[%get3A_19, %get3A_20] : memref<1024x768xf32, #tpu.memory_space<vmem>>, vector<1024x768xf32>
    %add3A_22 = arith.addf %get3A_1, %get3A_21 : vector<1024x768xf32>
    %add3A_23 = arith.addf %add3A_22, %add3A_18 : vector<1024x768xf32>
    %reduce_sum3A = arith.constant dense<0.000000e+00> : vector<1024xf32>
    %reduce_sum3A_24 = vector.multi_reduction <add>, %add3A_23, %reduce_sum3A [1] : vector<1024x768xf32> to vector<1024xf32>
    %broadcast_in_dim3A = vector.shape_cast %reduce_sum3A_24 : vector<1024xf32> to vector<1024x1xf32>
    %div3A = arith.constant 7.680000e+02 : f32
    %div3A_25 = vector.broadcast %div3A : f32 to vector<1024x1xf32>
    %div3A_26 = arith.divf %broadcast_in_dim3A, %div3A_25 : vector<1024x1xf32>
    %sub3A_27 = vector.broadcast %div3A_26 : vector<1024x1xf32> to vector<1024x768xf32>
    %sub3A_28 = arith.subf %add3A_23, %sub3A_27 : vector<1024x768xf32>
    %mul3A_29 = arith.mulf %sub3A_28, %sub3A_28 : vector<1024x768xf32>
    %reduce_sum3A_30 = arith.constant dense<0.000000e+00> : vector<1024xf32>
    %reduce_sum3A_31 = vector.multi_reduction <add>, %mul3A_29, %reduce_sum3A_30 [1] : vector<1024x768xf32> to vector<1024xf32>
    %broadcast_in_dim3A_32 = vector.shape_cast %reduce_sum3A_31 : vector<1024xf32> to vector<1024x1xf32>
    %div3A_33 = arith.constant 7.680000e+02 : f32
    %div3A_34 = vector.broadcast %div3A_33 : f32 to vector<1024x1xf32>
    %div3A_35 = arith.divf %broadcast_in_dim3A_32, %div3A_34 : vector<1024x1xf32>
    %add3A_36 = arith.constant 9.99999996E-13 : f32
    %add3A_37 = vector.broadcast %add3A_36 : f32 to vector<1024x1xf32>
    %add3A_38 = arith.addf %div3A_35, %add3A_37 : vector<1024x1xf32>
    %rsqrt3A = math.rsqrt %add3A_38 : vector<1024x1xf32>
    %mul3A_39 = vector.broadcast %rsqrt3A : vector<1024x1xf32> to vector<1024x768xf32>
    %mul3A_40 = arith.mulf %sub3A_28, %mul3A_39 : vector<1024x768xf32>
    %get3A_41 = arith.constant 0 : index
    %get3A_42 = arith.constant 0 : index
    %get3A_43 = vector.load %arg6[%get3A_41, %get3A_42] : memref<1x768xf32, #tpu.memory_space<vmem>>, vector<1x768xf32>
    %mul3A_44 = vector.broadcast %get3A_43 : vector<1x768xf32> to vector<1024x768xf32>
    %mul3A_45 = arith.mulf %mul3A_40, %mul3A_44 : vector<1024x768xf32>
    %get3A_46 = arith.constant 0 : index
    %get3A_47 = arith.constant 0 : index
    %get3A_48 = vector.load %arg7[%get3A_46, %get3A_47] : memref<1x768xf32, #tpu.memory_space<vmem>>, vector<1x768xf32>
    %add3A_49 = vector.broadcast %get3A_48 : vector<1x768xf32> to vector<1024x768xf32>
    %add3A_50 = arith.addf %mul3A_45, %add3A_49 : vector<1024x768xf32>
    %swap3A = arith.constant 0 : index
    %swap3A_51 = arith.constant 0 : index
    %swap3A_52 = vector.load %arg8[%swap3A, %swap3A_51] : memref<1024x768xf32, #tpu.memory_space<vmem>>, vector<1024x768xf32>
    tpu.vector_store %arg8[%swap3A, %swap3A_51], %add3A_50 {strides = array<i32>} : memref<1024x768xf32, #tpu.memory_space<vmem>>, vector<1024x768xf32>,
    return
  }
  func.func @transform_0(%arg0: i32, %arg1: i32) -> (i32, i32) {
    %mul3A = arith.constant 2 : i32
    %mul3A_0 = arith.muli %arg1, %mul3A : i32
    %add3A = arith.addi %mul3A_0, %arg0 : i32
    %c0_i32 = arith.constant 0 : i32
    %c0_i32_1 = arith.constant 0 : i32
    return %add3A, %c0_i32 : i32, i32
  }
  func.func @transform_1(%arg0: i32, %arg1: i32) -> (i32, i32) {
    %c0_i32 = arith.constant 0 : i32
    %c0_i32_0 = arith.constant 0 : i32
    return %arg0, %c0_i32 : i32, i32
  }
  func.func @transform_2(%arg0: i32, %arg1: i32) -> (i32, i32, i32) {
    %mul3A = arith.constant 2 : i32
    %mul3A_0 = arith.muli %arg1, %mul3A : i32
    %add3A = arith.addi %mul3A_0, %arg0 : i32
    %c0_i32 = arith.constant 0 : i32
    %c0_i32_1 = arith.constant 0 : i32
    %c0_i32_2 = arith.constant 0 : i32
    return %add3A, %c0_i32, %c0_i32_1 : i32, i32, i32
  }
  func.func @transform_3(%arg0: i32, %arg1: i32) -> (i32, i32) {
    %c0_i32 = arith.constant 0 : i32
    %c0_i32_0 = arith.constant 0 : i32
    %c0_i32_1 = arith.constant 0 : i32
    return %c0_i32, %c0_i32_0 : i32, i32
  }
  func.func @transform_4(%arg0: i32, %arg1: i32) -> (i32, i32) {
    %c0_i32 = arith.constant 0 : i32
    %c0_i32_0 = arith.constant 0 : i32
    %c0_i32_1 = arith.constant 0 : i32
    return %c0_i32, %c0_i32_0 : i32, i32
  }
  func.func @transform_5(%arg0: i32, %arg1: i32) -> (i32, i32) {
    %c0_i32 = arith.constant 0 : i32
    %c0_i32_0 = arith.constant 0 : i32
    %c0_i32_1 = arith.constant 0 : i32
    return %c0_i32, %c0_i32_0 : i32, i32
  }
  func.func @transform_6(%arg0: i32, %arg1: i32) -> (i32, i32) {
    %mul3A = arith.constant 2 : i32
    %mul3A_0 = arith.muli %arg1, %mul3A : i32
    %add3A = arith.addi %mul3A_0, %arg0 : i32
    %c0_i32 = arith.constant 0 : i32
    %c0_i32_1 = arith.constant 0 : i32
    return %add3A, %c0_i32 : i32, i32
  }
}

</mosaic_0001>

<sc_bundles>
// kernel: kernel.5.cloned.1.call-start
scs
__scs_entry_jumppad:
0x0: {  	(pc) =	sbr.rel $0x88, $3  }
0x1: {  	(tag) =	ssettag $0x0;
	lr =	simm.s32 $0x1  }
0x2: {  	[smem:$0x3F9B] =	sst lr;
	_ =	strace $0xD0000000  }
0x3: {  	_ = 	snop  }
0x4: {  	_ = 	snop  }
0x5: {  	_ = 	snop  }
0x6: {  	_ = 	snop  }
0x7: {  	_ = 	snop  }
__scs_overlays_trampoline_lowered:
0x8: {  	[smem:$0x3FAA] =	sst s0  }
0x9: {  	[smem:$0x3FAB] =	sst s1  }
0xa: {  	[smem:$0x3FAC] =	sst s2  }
0xb: {  	[smem:$0x3FAD] =	sst s3  }
0xc: {  	[smem:$0x3FAE] =	sst s4  }
0xd: {  	[smem:$0x3FAF] =	sst s5  }
0xe: {  	[smem:$0x3FB0] =	sst s6  }
0xf: {  	[smem:$0x3FB1] =	sst s7  }
0x10: {  	[smem:$0x3FB2] =	sst s8  }
0x11: {  	[smem:$0x3FB3] =	sst s9;
	s0 =	simm.s32 @!p0 $0x0  }
0x12: {  	s1 =	sld [smem:$0x3F99];
	s0 =	simm.s32 @p0 $0x1  }
0x13: {  	[smem:$0x3FB4] =	sst s0;
	s0 =	simm.s32 @!p1 $0x0  }
0x14: {  	s2 =	sld [smem:$0x3F98];
	s0 =	simm.s32 @p1 $0x1  }
0x15: {  	[smem:$0x3FB5] =	sst s0;
	s0 =	simm.s32 @!p2 $0x0  }
0x16: {  	s3 =	sld [smem:$0x3FDB];
	s0 =	simm.s32 @p2 $0x1  }
0x17: {  	s4 =	simm.s32 $0x1BF5;
	[smem:$0x3FB7] =	sst s0  }
0x18: {  	s0 =	sld [smem:$0x3F9A];
	_ =	swait.ge [sflag:s4], $0x0  }
0x19: {  	s7 =	sld [smem:$0x3F9B]  }
0x1a: {  	s8 =	sadd.s32 $0xFFFFE003, lr  }
0x1b: {  	s9 =	sadd.s32 $0xFFFFFEF7, lr;
	s5 =	simm.s32 $0xFFFFFFFF;
	p2 =	slt.u32 s8, $0xFFFFF086  }
0x1c: {  	p1 =	slt.u32 s9, $0xF7A;
	s5 =	simm.s32 @!p2 $0x0  }
0x1d: {  	s5 =	simm.s32 @p1 $0x1;
	p0 =	seq.s32 s7, s2  }
0x1e: {  	s7 =	smul.u32 @!p0 $0xF7A, s2;
	p2 =	seq.s32 @!p0 s5, $0x0  }
0x1f: {  	s9 =	smul.u32 $0xF7A, s1;
	s8 =	simm.s32 @!p0 $0x1BF5;
	p2 =	por !p2, p0  }
0x20: {  	[sflag:s8] =	ssyncset.s32 @!p0 $0xFFFFF086;
	s6 =	sadd.s32 @!p0 s3, s7;
	s7 =	simm.s32 @!p0 $0x108  }
0x21: {  	s3 =	sadd.s32 s3, s9;
	s6 =	sadd.s32 @!p0 $0x88, s6;
	s7 =	simm.s32 @p2 $0x1082  }
0x22: {  	[simem:s7], [sflag:s8] =	dma.local @!p0 [hbm:s6], $0xF7A  }
0x23: {  	s9 =	sor.u32 $0xD0000000, s2;
	s6 =	simm.s32 $0x108;
	_ =	swait.ge @!p0 [sflag:s8], $0x0  }
0x24: {  	s3 =	sadd.s32 $0x88, s3;
	s6 =	simm.s32 @!p1 $0x1082;
	[sflag:s4] =	ssyncset.s32 $0xFFFFF086  }
0x25: {  	[simem:s6], [sflag:s4] =	dma.local [hbm:s3], $0xF7A  }
0x26: {  	[smem:$0x3F9B] =	sst s1;
	(tag) =	ssettag s2;
	_ =	strace s9  }
0x27: {  	s1 =	sld [smem:$0x3FAB]  }
0x28: {  	s2 =	sld [smem:$0x3FAC]  }
0x29: {  	s4 =	sld [smem:$0x3FAE]  }
0x2a: {  	p0 =	seq.s32 s5, $0x0;
	s5 =	sld [smem:$0x3FAF]  }
0x2b: {  	s6 =	sld [smem:$0x3FB0]  }
0x2c: {  	s7 =	sld [smem:$0x3FB1]  }
0x2d: {  	s3 =	simm.s32 $0x108;
	s8 =	sld [smem:$0x3FB2]  }
0x2e: {  	s3 =	simm.s32 @!p0 $0x1082;
	s9 =	sld [smem:$0x3FB3]  }
0x2f: {  	lr =	sadd.s32 s0, s3;
	s0 =	sld [smem:$0x3FAA]  }
0x30: {  	s3 =	sld [smem:$0x3FAD]  }
0x31: {  	[smem:$0x3FB6] =	sst s10  }
0x32: {  	s10 =	sld [smem:$0x3FB4];
	_ =	sdelay $0x3  }
0x33: {  	p0 =	seq.s32 s10, $0x1;
	s10 =	sld [smem:$0x3FB6];
	_ =	sdelay $0x3  }
0x34: {  	[smem:$0x3FB6] =	sst s10  }
0x35: {  	s10 =	sld [smem:$0x3FB5];
	_ =	sdelay $0x3  }
0x36: {  	p1 =	seq.s32 s10, $0x1;
	s10 =	sld [smem:$0x3FB6];
	_ =	sdelay $0x3  }
0x37: {  	[smem:$0x3FB6] =	sst s10  }
0x38: {  	s10 =	sld [smem:$0x3FB7]  }
0x39: {  	_ = 	snop;
	(pc) =	sbr.ind lr, $3  }
0x3a: {  	_ = 	snop  }
0x3b: {  	_ = 	snop  }
0x3c: {  	p2 =	seq.s32 s10, $0x1;
	s10 =	sld [smem:$0x3FB6]  }
0x3d: {  	_ =	shalt  }
0x3e: {  	_ =	shalt  }
0x3f: {  	_ =	shalt  }
0x40: {  	_ =	shalt  }
0x41: {  	_ =	shalt  }
0x42: {  	_ =	shalt  }
0x43: {  	_ =	shalt  }
0x44: {  	_ =	shalt  }
0x45: {  	_ =	shalt  }
0x46: {  	_ =	shalt  }
0x47: {  	_ =	shalt  }
0x48: {  	_ =	shalt  }
0x49: {  	_ =	shalt  }
0x4a: {  	_ =	shalt  }
0x4b: {  	_ =	shalt  }
0x4c: {  	_ =	shalt  }
0x4d: {  	_ =	shalt  }
0x4e: {  	_ =	shalt  }
0x4f: {  	_ =	shalt  }
0x50: {  	_ =	shalt  }
0x51: {  	_ =	shalt  }
0x52: {  	_ =	shalt  }
0x53: {  	_ =	shalt  }
0x54: {  	_ =	shalt  }
0x55: {  	_ =	shalt  }
0x56: {  	_ =	shalt  }
0x57: {  	_ =	shalt  }
0x58: {  	_ =	shalt  }
0x59: {  	_ =	shalt  }
0x5a: {  	_ =	shalt  }
0x5b: {  	_ =	shalt  }
0x5c: {  	_ =	shalt  }
0x5d: {  	_ =	shalt  }
0x5e: {  	_ =	shalt  }
0x5f: {  	_ =	shalt  }
0x60: {  	_ =	shalt  }
0x61: {  	_ =	shalt  }
0x62: {  	_ =	shalt  }
0x63: {  	_ =	shalt  }
0x64: {  	_ =	shalt  }
0x65: {  	_ =	shalt  }
0x66: {  	_ =	shalt  }
0x67: {  	_ =	shalt  }
0x68: {  	_ =	shalt  }
0x69: {  	_ =	shalt  }
0x6a: {  	_ =	shalt  }
0x6b: {  	_ =	shalt  }
0x6c: {  	_ =	shalt  }
0x6d: {  	_ =	shalt  }
0x6e: {  	_ =	shalt  }
0x6f: {  	_ =	shalt  }
0x70: {  	_ =	shalt  }
0x71: {  	_ =	shalt  }
0x72: {  	_ =	shalt  }
0x73: {  	_ =	shalt  }
0x74: {  	_ =	shalt  }
0x75: {  	_ =	shalt  }
0x76: {  	_ =	shalt  }
0x77: {  	_ =	shalt  }
0x78: {  	_ =	shalt  }
0x79: {  	_ =	shalt  }
0x7a: {  	_ =	shalt  }
0x7b: {  	_ =	shalt  }
0x7c: {  	_ =	shalt  }
0x7d: {  	_ =	shalt  }
0x7e: {  	_ =	shalt  }
0x7f: {  	_ =	shalt  }
0x80: {  	_ =	shalt  }
0x81: {  	_ =	shalt  }
0x82: {  	_ =	shalt  }
0x83: {  	_ =	shalt  }
0x84: {  	_ =	shalt  }
0x85: {  	_ =	shalt  }
0x86: {  	_ =	shalt  }
0x87: {  	_ =	shalt  }
.Lfunc_end0:
.L_simem_size_0:
called_computation_lowered:
.L_overlay_start_0:
0x88: {  	s2 =	sld [smem:$0x3FD9]  }
0x89: {  	s3 =	sld [smem:$0x3FFE];
	_ =	sdelay $0x1  }
0x8a: {  	s1 =	srdreg.scid  }
0x8b: {  	s0 =	sand.u32 $0x1, s1  }
0x8c: {  	s17 =	sshll.u32 s0, $0xA;
	s2 =	sadd.s32 s3, s2  }
0x8d: {  	s2 =	sadd.s32 s2, s17  }
0x8e: {  	[smem:$0x3FC2] =	sst s2  }
0x8f: {  	_ = 	snop  }
0x90: {  	s2 =	sld [smem:$0x3FC7]  }
0x91: {  	s18 =	sld [smem:$0x3FD0];
	(tm) =	ssettm $0x1  }
0x92: {  	s4 =	sld [smem:$0x3FFB];
	_ =	sdelay $0x3  }
0x93: {  	_ =	strace s4  }
0x94: {  	s4 =	sld [smem:$0x3FFC];
	_ =	sdelay $0x3  }
0x95: {  	_ =	strace s4  }
0x96: {  	s4 =	sld [smem:$0x3FFD];
	_ =	sdelay $0x3  }
0x97: {  	_ =	strace s4  }
0x98: {  	_ =	strace $0x8FFFFFFF  }
0x99: {  	s19 =	sld [smem:$0x3FDB];
	_ =	sdelay $0x1  }
0x9a: {  	s5 =	simm.s32 $_scs_section_size  }
0x9b: {  	s6 =	simm.s32 $_size__tile_overlayer_lowered;
	s7 =	simm.s32 $_tile_overlayer_lowered  }
0x9c: {  	s22 =	simm.s32 $0x1BFF;
	s21 =	sshll.u32 s7, $0x1;
	s4 =	sadd.s32 s5, s19  }
0x9d: {  	s8 =	simm.s32 $0x0;
	s20 =	sshll.u32 s6, $0x1;
	s6 =	sadd.s32 s21, s4  }
0x9e: {  	[timem:s8], [sflag:s22] =	dma.local [hbm:s6], s20  }
0x9f: {  	_ =	swait.ge [sflag:s22], s20  }
0xa0: {  	s5 =	ssub.s32 $0x0, s20;
	[sflag:s22] =	ssyncset.done $0x0  }
0xa1: {  	[sflag:s22] =	ssyncadd.s32 s5;
	_ =	sdelay $0x1  }
0xa2: {  	s23 =	simm.s32 $0x1B8B  }
0xa3: {  	_ =	swait.ge [sflag:s23], $0x1  }
0xa4: {  	[sflag:s23] =	ssyncset.done $0x0  }
0xa5: {  	s25 =	simm.s32 $0x1B8E;
	s24 =	sld [smem:$0x3FFE];
	[sflag:s23] =	ssyncadd.s32 $0xFFFFFFFF  }
0xa6: {  	s26 =	simm.s32 $execute0_lowered;
	[smem:$0x3FD2] =	sst s25  }
0xa7: {  	s6 =	sshll.u32 s26, $0x1;
	_ =	strace $0x80000046;
	[dreg:$0x1] =	wrdreg $0xFFFFFFFF  }
0xa8: {  	s28 =	simm.s32 $_size_execute0_lowered;
	s4 =	sadd.s32 s4, s6;
	[dreg:$0x0] =	wrdreg $0x0  }
0xa9: {  	s6 =	sshll.u32 s28, $0x1;
	[dreg:$0x2] =	wrdreg s4  }
0xaa: {  	[dreg:$0x3] =	wrdreg s6  }
0xab: {  	[dreg:$0x4] =	wrdreg $0xC0  }
0xac: {  	_ =	task [dreg:s8], $0x5FFFF  }
0xad: {  	[dreg:$0x1] =	wrdreg $0xFFFFFFFF  }
0xae: {  	[dreg:$0x0] =	wrdreg $0x60  }
0xaf: {  	[dreg:$0x2] =	wrdreg s2  }
0xb0: {  	[dreg:$0x3] =	wrdreg s18  }
0xb1: {  	[dreg:$0x4] =	wrdreg s24  }
0xb2: {  	[dreg:$0x5] =	wrdreg $0x9  }
0xb3: {  	_ =	task.clear_ibuf [dreg:s8], $0x6FFFF;
	_ =	strace $0x90000046  }
0xb4: {  	s29 =	simm.s32 $0x9;
	_ =	strace $0x80000048  }
0xb5: {  	_ =	swait.ge [sflag:s29], $0x1  }
0xb6: {  	[sflag:s29] =	ssyncadd.s32 $0xFFFFFFFF  }
0xb7: {  	_ =	strace $0x90000048  }
0xb8: {  	_ =	sfence  }
0xb9: {  	s30 =	sld [smem:$0x0];
	_ =	sdelay $0x2  }
0xba: {  	s31 =	sshll.u32 s1, $0xD;
	s1 =	sshrl.u32 s1, $0x2  }
0xbb: {  	s3 =	sand.u32 $0x4000, s31;
	s1 =	sadd.s32 s1, s30  }
0xbc: {  	s0 =	sor.u32 s3, s0;
	s1 =	sshll.u32 s1, $0x11  }
0xbd: {  	s0 =	sor.u32 s1, s0  }
0xbe: {  	s0 =	sadd.s32 $0x8F2B, s0  }
0xbf: {  	[sflag:s0] =	ssyncadd.remote.s32 $0x1  }
0xc0: {  	_ =	sfence.sel $0xFFFF  }
0xc1: {  	[dreg:$0x0] =	wrdreg $0xFFFFFFFF;
	(pc) =	sbr.abs _section_cstart, $3  }
0xc2: {  	[dreg:$0x1] =	wrdreg $0xFFFFFFFF  }
0xc3: {  	_ =	task.clear_ibuf [dreg:s8], $0x2FFFF;
	_ =	strace $0x9FFFFFFF  }
0xc4: {  	(tm) =	ssettm $0x7FFFFFFF  }
0xc5: {  	_ =	shalt  }
tec
execute0_lowered:
.L_overlay_start_1:
0x0: {  	(tag) =	ssettag $0x1  }
0x1: {  	s1 =	rddreg [dreg:$0x0]  }
0x2: {  	s0 =	rddreg [dreg:$0x1]  }
0x3: {  	s2 =	srdreg.scid;
	s3 =	stileid.u32  }
0x4: {  	s4 =	rddreg [dreg:$0x2];
	s13 =	simm.s32 $0xA00;
	s14 =	simm.s32 $0x1200  }
0x5: {  	s15 =	simm.s32 $0x1A00;
	s16 =	simm.s32 $0x2200;
	s17 =	simm.s32 $0x2A00  }
0x6: {  	s18 =	simm.s32 $0x3200;
	s19 =	simm.s32 $0x3A00;
	s20 =	simm.s32 $0x4200  }
0x7: {  	s21 =	simm.s32 $0x4A00;
	s22 =	simm.s32 $0x5200;
	s28 =	simm.s32 $0x7A00  }
0x8: {  	s29 =	simm.s32 $0x8200;
	s30 =	simm.s32 $0x8A00;
	s31 =	simm.s32 $0x9200  }
0x9: {  	s9 =	simm.s32 $0xAA00;
	s10 =	simm.s32 $0xBA00;
	s11 =	simm.s32 $0xC200  }
0xa: {  	s2 =	sand.u32 $0x1, s2;
	s5 =	sshll.u32 s3, $0x1;
	s3 =	simm.s32 $0x0  }
0xb: {  	s4 =	sadd.s32 $0xC00, s4;
	s5 =	sor.u32 s2, s5;
	[smem:$0x7FF] =	sst s3  }
0xc: {  	s2 =	ssub.s32 $0x2, s2;
	s6 =	smul.u32 $0x6000, s5;
	_ =	strace $0x80000047  }
0xd: {  	s7 =	smul.u32 $0x30000, s5;
	s8 =	sshrl.u32 s2, $0x1;
	s5 =	sshll.u32 s5, $0x6  }
0xe: {  	s0 =	sadd.s32 s0, s5;
	s2 =	ssub.s32 s2, s8;
	s5 =	sadd.s32 $0x100, s1  }
0xf: {  	s8 =	simm.s32 $0x3;
	s6 =	sadd.s32 s4, s6;
	[dreg:$0x4] =	wrdreg s0  }
0x10: {  	s23 =	sshrl.u32 s7, $0x3;
	[dreg:$0x8] =	wrdreg s6;
	s24 =	sadd.s32 $0x1800, s6  }
0x11: {  	s4 =	sadd.s32 s4, s23;
	s6 =	sadd.s32 $0x200, s1;
	s23 =	simm.s32 $0x5A00  }
0x12: {  	v2 =	vlaneseq.u32;
	[dreg:$0x5] =	wrdreg s24;
	s25 =	sadd.s32 $0x3000, s4;
	s26 =	sadd.s32 $0x4800, s4  }
0x13: {  	vm0 =	vmmov $0xffff;
	v1 =	vshrl.u32 v2, $0x3;
	s4 =	smax.u32 s2, $0x1;
	s24 =	simm.s32 $0x6200;
	[dreg:$0x6] =	wrdreg s25  }
0x14: {  	v0 =	vand.u32 $0x7, v2;
	v2 =	vor.u32 $0x8, v2;
	v1 =	vmul.u32 $0x8, v1;
	[dreg:$0x7] =	wrdreg s26;
	s25 =	simm.s32 $0x6A00;
	s26 =	simm.s32 $0x7200  }
.LBB2_1:
0x15: {  	s12 =	rddreg [dreg:$0x4]  }
0x16: {  	[tilespmem:s3], [sflag:$0x3] =	stream.linear.gather [hbm4b:s12+s3], $0x200, $0x38;
	[tilespmem:$0x18200] =	vst v63  }
0x17: {  	_ =	swait.ge [sflag:s8], $0x200  }
0x18: {  	[sflag:s8] =	ssyncset.done $0x0  }
0x19: {  	[sflag:s8] =	ssyncadd.s32 $0xFFFFFE00  }
0x1a: {  	v3 =	vld [tilespmem:$0x0];
	_ =	sdelay $0x4  }
0x1b: {  	v4 =	vshrl.u32 v3, $0x3  }
0x1c: {  	v4 =	vmul.u32 $0x30, v4  }
0x1d: {  	v3 =	vand.u32 $0x7, v3  }
0x1e: {  	v3 =	vor.u32 v3, v4  }
0x1f: {  	v4 =	vperm.xlane v3, v0;
	_ =	sdelay $0x1  }
0x20: {  	v4 =	vadd.s32 v1, v4;
	_ =	sdelay $0x3  }
0x21: {  	s0 =	simm.s32 $0x200;
	v3 =	vperm.xlane v3, v2  }
0x22: {  	[tilespmem:s0], [sflag:$0x1] =	stream.indirect_vreg.gather [hbm4b:s1+s3], $0x80, v4, vm0, $0xb8;
	[tilespmem:$0x18200] =	vst v63  }
0x23: {  	v3 =	vadd.s32 v1, v3  }
0x24: {  	[tilespmem:s13], [sflag:$0x1] =	stream.indirect_vreg.gather [hbm4b:s5+s3], $0x80, v4, vm0, $0xb8;
	[tilespmem:$0x18200] =	vst v63  }
0x25: {  	_ = 	snop  }
0x26: {  	[tilespmem:s14], [sflag:$0x1] =	stream.indirect_vreg.gather [hbm4b:s6+s3], $0x80, v4, vm0, $0xb8;
	[tilespmem:$0x18200] =	vst v63  }
0x27: {  	_ = 	snop  }
0x28: {  	[tilespmem:s15], [sflag:$0x1] =	stream.indirect_vreg.gather [hbm4b:s1+s3], $0x80, v3, vm0, $0xb8;
	[tilespmem:$0x18200] =	vst v63  }
0x29: {  	_ = 	snop  }
0x2a: {  	[tilespmem:s16], [sflag:$0x1] =	stream.indirect_vreg.gather [hbm4b:s5+s3], $0x80, v3, vm0, $0xb8;
	[tilespmem:$0x18200] =	vst v63  }
0x2b: {  	_ = 	snop  }
0x2c: {  	[tilespmem:s17], [sflag:$0x1] =	stream.indirect_vreg.gather [hbm4b:s6+s3], $0x80, v3, vm0, $0xb8;
	[tilespmem:$0x18200] =	vst v63  }
0x2d: {  	v3 =	vld [tilespmem:$0x10];
	_ =	sdelay $0x4  }
0x2e: {  	v49 =	vshrl.u32 v3, $0x3  }
0x2f: {  	v4 =	vmul.u32 $0x30, v49  }
0x30: {  	v3 =	vand.u32 $0x7, v3  }
0x31: {  	v3 =	vor.u32 v3, v4  }
0x32: {  	v4 =	vperm.xlane v3, v0;
	_ =	sdelay $0x1  }
0x33: {  	v4 =	vadd.s32 v1, v4;
	_ =	sdelay $0x3  }
0x34: {  	v3 =	vperm.xlane v3, v2  }
0x35: {  	[tilespmem:s18], [sflag:$0x1] =	stream.indirect_vreg.gather [hbm4b:s1+s3], $0x80, v4, vm0, $0xb8;
	[tilespmem:$0x18200] =	vst v63  }
0x36: {  	v3 =	vadd.s32 v1, v3  }
0x37: {  	[tilespmem:s19], [sflag:$0x1] =	stream.indirect_vreg.gather [hbm4b:s5+s3], $0x80, v4, vm0, $0xb8;
	[tilespmem:$0x18200] =	vst v63  }
0x38: {  	_ = 	snop  }
0x39: {  	[tilespmem:s20], [sflag:$0x1] =	stream.indirect_vreg.gather [hbm4b:s6+s3], $0x80, v4, vm0, $0xb8;
	[tilespmem:$0x18200] =	vst v63  }
0x3a: {  	_ = 	snop  }
0x3b: {  	[tilespmem:s21], [sflag:$0x1] =	stream.indirect_vreg.gather [hbm4b:s1+s3], $0x80, v3, vm0, $0xb8;
	[tilespmem:$0x18200] =	vst v63  }
0x3c: {  	_ = 	snop  }
0x3d: {  	[tilespmem:s22], [sflag:$0x1] =	stream.indirect_vreg.gather [hbm4b:s5+s3], $0x80, v3, vm0, $0xb8;
	[tilespmem:$0x18200] =	vst v63  }
0x3e: {  	_ = 	snop  }
0x3f: {  	[tilespmem:s23], [sflag:$0x1] =	stream.indirect_vreg.gather [hbm4b:s6+s3], $0x80, v3, vm0, $0xb8;
	[tilespmem:$0x18200] =	vst v63  }
0x40: {  	v3 =	vld [tilespmem:$0x20];
	_ =	sdelay $0x4  }
0x41: {  	v50 =	vshrl.u32 v3, $0x3  }
0x42: {  	v4 =	vmul.u32 $0x30, v50  }
0x43: {  	v3 =	vand.u32 $0x7, v3  }
0x44: {  	v3 =	vor.u32 v3, v4  }
0x45: {  	v4 =	vperm.xlane v3, v0;
	_ =	sdelay $0x1  }
0x46: {  	v4 =	vadd.s32 v1, v4;
	_ =	sdelay $0x3  }
0x47: {  	v3 =	vperm.xlane v3, v2  }
0x48: {  	[tilespmem:s24], [sflag:$0x1] =	stream.indirect_vreg.gather [hbm4b:s1+s3], $0x80, v4, vm0, $0xb8;
	[tilespmem:$0x18200] =	vst v63  }
0x49: {  	v3 =	vadd.s32 v1, v3  }
0x4a: {  	[tilespmem:s25], [sflag:$0x1] =	stream.indirect_vreg.gather [hbm4b:s5+s3], $0x80, v4, vm0, $0xb8;
	[tilespmem:$0x18200] =	vst v63  }
0x4b: {  	_ = 	snop  }
0x4c: {  	[tilespmem:s26], [sflag:$0x1] =	stream.indirect_vreg.gather [hbm4b:s6+s3], $0x80, v4, vm0, $0xb8;
	[tilespmem:$0x18200] =	vst v63  }
0x4d: {  	_ = 	snop  }
0x4e: {  	[tilespmem:s28], [sflag:$0x1] =	stream.indirect_vreg.gather [hbm4b:s1+s3], $0x80, v3, vm0, $0xb8;
	[tilespmem:$0x18200] =	vst v63  }
0x4f: {  	_ = 	snop  }
0x50: {  	[tilespmem:s29], [sflag:$0x1] =	stream.indirect_vreg.gather [hbm4b:s5+s3], $0x80, v3, vm0, $0xb8;
	[tilespmem:$0x18200] =	vst v63  }
0x51: {  	_ = 	snop  }
0x52: {  	[tilespmem:s30], [sflag:$0x1] =	stream.indirect_vreg.gather [hbm4b:s6+s3], $0x80, v3, vm0, $0xb8;
	[tilespmem:$0x18200] =	vst v63  }
0x53: {  	v3 =	vld [tilespmem:$0x30];
	_ =	sdelay $0x4  }
0x54: {  	v51 =	vshrl.u32 v3, $0x3  }
0x55: {  	v4 =	vmul.u32 $0x30, v51  }
0x56: {  	v3 =	vand.u32 $0x7, v3  }
0x57: {  	v3 =	vor.u32 v3, v4  }
0x58: {  	v4 =	vperm.xlane v3, v0;
	_ =	sdelay $0x1  }
0x59: {  	v4 =	vadd.s32 v1, v4;
	_ =	sdelay $0x3  }
0x5a: {  	v3 =	vperm.xlane v3, v2  }
0x5b: {  	[tilespmem:s31], [sflag:$0x1] =	stream.indirect_vreg.gather [hbm4b:s1+s3], $0x80, v4, vm0, $0xb8;
	[tilespmem:$0x18200] =	vst v63  }
0x5c: {  	s2 =	simm.s32 $0x9A00;
	v3 =	vadd.s32 v1, v3  }
0x5d: {  	[tilespmem:s2], [sflag:$0x1] =	stream.indirect_vreg.gather [hbm4b:s5+s3], $0x80, v4, vm0, $0xb8;
	[tilespmem:$0x18200] =	vst v63  }
0x5e: {  	s12 =	simm.s32 $0xA200  }
0x5f: {  	[tilespmem:s12], [sflag:$0x1] =	stream.indirect_vreg.gather [hbm4b:s6+s3], $0x80, v4, vm0, $0xb8;
	[tilespmem:$0x18200] =	vst v63  }
0x60: {  	_ = 	snop  }
0x61: {  	[tilespmem:s9], [sflag:$0x1] =	stream.indirect_vreg.gather [hbm4b:s1+s3], $0x80, v3, vm0, $0xb8;
	[tilespmem:$0x18200] =	vst v63  }
0x62: {  	s7 =	simm.s32 $0xB200  }
0x63: {  	[tilespmem:s7], [sflag:$0x1] =	stream.indirect_vreg.gather [hbm4b:s5+s3], $0x80, v3, vm0, $0xb8;
	[tilespmem:$0x18200] =	vst v63  }
0x64: {  	_ = 	snop  }
0x65: {  	[tilespmem:s10], [sflag:$0x1] =	stream.indirect_vreg.gather [hbm4b:s6+s3], $0x80, v3, vm0, $0xb8;
	[tilespmem:$0x18200] =	vst v63  }
0x66: {  	v3 =	vld [tilespmem:$0x80];
	_ =	sdelay $0x4  }
0x67: {  	v52 =	vshrl.u32 v3, $0x3  }
0x68: {  	v4 =	vmul.u32 $0x30, v52  }
0x69: {  	v3 =	vand.u32 $0x7, v3  }
0x6a: {  	v3 =	vor.u32 v3, v4  }
0x6b: {  	v4 =	vperm.xlane v3, v0;
	_ =	sdelay $0x1  }
0x6c: {  	v4 =	vadd.s32 v1, v4;
	_ =	sdelay $0x3  }
0x6d: {  	v3 =	vperm.xlane v3, v2  }
0x6e: {  	[tilespmem:s11], [sflag:$0x2] =	stream.indirect_vreg.gather [hbm4b:s1+s3], $0x80, v4, vm0, $0xb8;
	[tilespmem:$0x18200] =	vst v63  }
0x6f: {  	s12 =	simm.s32 $0xCA00;
	v3 =	vadd.s32 v1, v3  }
0x70: {  	[tilespmem:s12], [sflag:$0x2] =	stream.indirect_vreg.gather [hbm4b:s5+s3], $0x80, v4, vm0, $0xb8;
	[tilespmem:$0x18200] =	vst v63  }
0x71: {  	s7 =	simm.s32 $0xD200  }
0x72: {  	[tilespmem:s7], [sflag:$0x2] =	stream.indirect_vreg.gather [hbm4b:s6+s3], $0x80, v4, vm0, $0xb8;
	[tilespmem:$0x18200] =	vst v63  }
0x73: {  	s12 =	simm.s32 $0xDA00  }
0x74: {  	[tilespmem:s12], [sflag:$0x2] =	stream.indirect_vreg.gather [hbm4b:s1+s3], $0x80, v3, vm0, $0xb8;
	[tilespmem:$0x18200] =	vst v63  }
0x75: {  	s7 =	simm.s32 $0xE200  }
0x76: {  	[tilespmem:s7], [sflag:$0x2] =	stream.indirect_vreg.gather [hbm4b:s5+s3], $0x80, v3, vm0, $0xb8;
	[tilespmem:$0x18200] =	vst v63  }
0x77: {  	s12 =	simm.s32 $0xEA00  }
0x78: {  	[tilespmem:s12], [sflag:$0x2] =	stream.indirect_vreg.gather [hbm4b:s6+s3], $0x80, v3, vm0, $0xb8;
	[tilespmem:$0x18200] =	vst v63  }
0x79: {  	v3 =	vld [tilespmem:$0x90];
	_ =	sdelay $0x4  }
0x7a: {  	v53 =	vshrl.u32 v3, $0x3  }
0x7b: {  	v4 =	vmul.u32 $0x30, v53  }
0x7c: {  	v3 =	vand.u32 $0x7, v3  }
0x7d: {  	v3 =	vor.u32 v3, v4  }
0x7e: {  	v4 =	vperm.xlane v3, v0;
	_ =	sdelay $0x1  }
0x7f: {  	v4 =	vadd.s32 v1, v4;
	_ =	sdelay $0x3  }
0x80: {  	s7 =	simm.s32 $0xF200;
	v3 =	vperm.xlane v3, v2  }
0x81: {  	[tilespmem:s7], [sflag:$0x2] =	stream.indirect_vreg.gather [hbm4b:s1+s3], $0x80, v4, vm0, $0xb8;
	[tilespmem:$0x18200] =	vst v63  }
0x82: {  	s12 =	simm.s32 $0xFA00;
	v3 =	vadd.s32 v1, v3  }
0x83: {  	[tilespmem:s12], [sflag:$0x2] =	stream.indirect_vreg.gather [hbm4b:s5+s3], $0x80, v4, vm0, $0xb8;
	[tilespmem:$0x18200] =	vst v63  }
0x84: {  	s7 =	simm.s32 $0x10200  }
0x85: {  	[tilespmem:s7], [sflag:$0x2] =	stream.indirect_vreg.gather [hbm4b:s6+s3], $0x80, v4, vm0, $0xb8;
	[tilespmem:$0x18200] =	vst v63  }
0x86: {  	s12 =	simm.s32 $0x10A00  }
0x87: {  	[tilespmem:s12], [sflag:$0x2] =	stream.indirect_vreg.gather [hbm4b:s1+s3], $0x80, v3, vm0, $0xb8;
	[tilespmem:$0x18200] =	vst v63  }
0x88: {  	s7 =	simm.s32 $0x11200  }
0x89: {  	[tilespmem:s7], [sflag:$0x2] =	stream.indirect_vreg.gather [hbm4b:s5+s3], $0x80, v3, vm0, $0xb8;
	[tilespmem:$0x18200] =	vst v63  }
0x8a: {  	s12 =	simm.s32 $0x11A00  }
0x8b: {  	[tilespmem:s12], [sflag:$0x2] =	stream.indirect_vreg.gather [hbm4b:s6+s3], $0x80, v3, vm0, $0xb8;
	[tilespmem:$0x18200] =	vst v63  }
0x8c: {  	v3 =	vld [tilespmem:$0xA0];
	_ =	sdelay $0x4  }
0x8d: {  	v54 =	vshrl.u32 v3, $0x3  }
0x8e: {  	v4 =	vmul.u32 $0x30, v54  }
0x8f: {  	v3 =	vand.u32 $0x7, v3  }
0x90: {  	v3 =	vor.u32 v3, v4  }
0x91: {  	v4 =	vperm.xlane v3, v0;
	_ =	sdelay $0x1  }
0x92: {  	v4 =	vadd.s32 v1, v4;
	_ =	sdelay $0x3  }
0x93: {  	s7 =	simm.s32 $0x12200;
	v3 =	vperm.xlane v3, v2  }
0x94: {  	[tilespmem:s7], [sflag:$0x2] =	stream.indirect_vreg.gather [hbm4b:s1+s3], $0x80, v4, vm0, $0xb8;
	[tilespmem:$0x18200] =	vst v63  }
0x95: {  	s12 =	simm.s32 $0x12A00;
	v3 =	vadd.s32 v1, v3  }
0x96: {  	[tilespmem:s12], [sflag:$0x2] =	stream.indirect_vreg.gather [hbm4b:s5+s3], $0x80, v4, vm0, $0xb8;
	[tilespmem:$0x18200] =	vst v63  }
0x97: {  	s7 =	simm.s32 $0x13200  }
0x98: {  	[tilespmem:s7], [sflag:$0x2] =	stream.indirect_vreg.gather [hbm4b:s6+s3], $0x80, v4, vm0, $0xb8;
	[tilespmem:$0x18200] =	vst v63  }
0x99: {  	s12 =	simm.s32 $0x13A00  }
0x9a: {  	[tilespmem:s12], [sflag:$0x2] =	stream.indirect_vreg.gather [hbm4b:s1+s3], $0x80, v3, vm0, $0xb8;
	[tilespmem:$0x18200] =	vst v63  }
0x9b: {  	s7 =	simm.s32 $0x14200  }
0x9c: {  	[tilespmem:s7], [sflag:$0x2] =	stream.indirect_vreg.gather [hbm4b:s5+s3], $0x80, v3, vm0, $0xb8;
	[tilespmem:$0x18200] =	vst v63  }
0x9d: {  	s12 =	simm.s32 $0x14A00  }
0x9e: {  	[tilespmem:s12], [sflag:$0x2] =	stream.indirect_vreg.gather [hbm4b:s6+s3], $0x80, v3, vm0, $0xb8;
	[tilespmem:$0x18200] =	vst v63  }
0x9f: {  	v3 =	vld [tilespmem:$0xB0];
	_ =	sdelay $0x4  }
0xa0: {  	v55 =	vshrl.u32 v3, $0x3  }
0xa1: {  	v4 =	vmul.u32 $0x30, v55  }
0xa2: {  	v3 =	vand.u32 $0x7, v3  }
0xa3: {  	v3 =	vor.u32 v3, v4  }
0xa4: {  	v4 =	vperm.xlane v3, v0;
	_ =	sdelay $0x1  }
0xa5: {  	v4 =	vadd.s32 v1, v4;
	_ =	sdelay $0x3  }
0xa6: {  	s7 =	simm.s32 $0x15200;
	v3 =	vperm.xlane v3, v2  }
0xa7: {  	[tilespmem:s7], [sflag:$0x2] =	stream.indirect_vreg.gather [hbm4b:s1+s3], $0x80, v4, vm0, $0xb8;
	[tilespmem:$0x18200] =	vst v63  }
0xa8: {  	s12 =	simm.s32 $0x15A00;
	v3 =	vadd.s32 v1, v3  }
0xa9: {  	[tilespmem:s12], [sflag:$0x2] =	stream.indirect_vreg.gather [hbm4b:s5+s3], $0x80, v4, vm0, $0xb8;
	[tilespmem:$0x18200] =	vst v63  }
0xaa: {  	s7 =	simm.s32 $0x16200  }
0xab: {  	[tilespmem:s7], [sflag:$0x2] =	stream.indirect_vreg.gather [hbm4b:s6+s3], $0x80, v4, vm0, $0xb8;
	[tilespmem:$0x18200] =	vst v63  }
0xac: {  	s12 =	simm.s32 $0x16A00  }
0xad: {  	[tilespmem:s12], [sflag:$0x2] =	stream.indirect_vreg.gather [hbm4b:s1+s3], $0x80, v3, vm0, $0xb8;
	[tilespmem:$0x18200] =	vst v63  }
0xae: {  	s7 =	simm.s32 $0x17200  }
0xaf: {  	[tilespmem:s7], [sflag:$0x2] =	stream.indirect_vreg.gather [hbm4b:s5+s3], $0x80, v3, vm0, $0xb8;
	[tilespmem:$0x18200] =	vst v63  }
0xb0: {  	s0 =	simm.s32 $0x1;
	s12 =	simm.s32 $0x17A00  }
0xb1: {  	[tilespmem:s12], [sflag:$0x2] =	stream.indirect_vreg.gather [hbm4b:s6+s3], $0x80, v3, vm0, $0xb8;
	[tilespmem:$0x18200] =	vst v63  }
0xb2: {  	_ =	swait.ge [sflag:s0], $0xC000  }
0xb3: {  	[sflag:s0] =	ssyncset.done $0x0  }
0xb4: {  	s7 =	simm.s32 $0x200;
	s12 =	rddreg [dreg:$0x8];
	[sflag:s0] =	ssyncadd.s32 $0xFFFF4000  }
0xb5: {  	[hbm4b:s12+s3] =	stream.linear.scatter [tilespmem:s7], [sflag:$0x3], $0xC000, $0x38;
	[tilespmem:$0x18200] =	vst v63  }
0xb6: {  	_ =	swait.ge [sflag:s8], $0xC000  }
0xb7: {  	[sflag:s8] =	ssyncset.done $0x0  }
0xb8: {  	[sflag:s8] =	ssyncadd.s32 $0xFFFF4000  }
0xb9: {  	v3 =	vld [tilespmem:$0x100];
	_ =	sdelay $0x4  }
0xba: {  	v56 =	vshrl.u32 v3, $0x3  }
0xbb: {  	v4 =	vmul.u32 $0x30, v56  }
0xbc: {  	v3 =	vand.u32 $0x7, v3  }
0xbd: {  	v3 =	vor.u32 v3, v4  }
0xbe: {  	v4 =	vperm.xlane v3, v0;
	_ =	sdelay $0x1  }
0xbf: {  	v4 =	vadd.s32 v1, v4;
	_ =	sdelay $0x3  }
0xc0: {  	v3 =	vperm.xlane v3, v2  }
0xc1: {  	[tilespmem:s7], [sflag:$0x1] =	stream.indirect_vreg.gather [hbm4b:s1+s3], $0x80, v4, vm0, $0xb8;
	[tilespmem:$0x18200] =	vst v63  }
0xc2: {  	v3 =	vadd.s32 v1, v3  }
0xc3: {  	[tilespmem:s13], [sflag:$0x1] =	stream.indirect_vreg.gather [hbm4b:s5+s3], $0x80, v4, vm0, $0xb8;
	[tilespmem:$0x18200] =	vst v63  }
0xc4: {  	_ = 	snop  }
0xc5: {  	[tilespmem:s14], [sflag:$0x1] =	stream.indirect_vreg.gather [hbm4b:s6+s3], $0x80, v4, vm0, $0xb8;
	[tilespmem:$0x18200] =	vst v63  }
0xc6: {  	_ = 	snop  }
0xc7: {  	[tilespmem:s15], [sflag:$0x1] =	stream.indirect_vreg.gather [hbm4b:s1+s3], $0x80, v3, vm0, $0xb8;
	[tilespmem:$0x18200] =	vst v63  }
0xc8: {  	_ = 	snop  }
0xc9: {  	[tilespmem:s16], [sflag:$0x1] =	stream.indirect_vreg.gather [hbm4b:s5+s3], $0x80, v3, vm0, $0xb8;
	[tilespmem:$0x18200] =	vst v63  }
0xca: {  	_ = 	snop  }
0xcb: {  	[tilespmem:s17], [sflag:$0x1] =	stream.indirect_vreg.gather [hbm4b:s6+s3], $0x80, v3, vm0, $0xb8;
	[tilespmem:$0x18200] =	vst v63  }
0xcc: {  	v3 =	vld [tilespmem:$0x110];
	_ =	sdelay $0x4  }
0xcd: {  	v57 =	vshrl.u32 v3, $0x3  }
0xce: {  	v4 =	vmul.u32 $0x30, v57  }
0xcf: {  	v3 =	vand.u32 $0x7, v3  }
0xd0: {  	v3 =	vor.u32 v3, v4  }
0xd1: {  	v4 =	vperm.xlane v3, v0;
	_ =	sdelay $0x1  }
0xd2: {  	v4 =	vadd.s32 v1, v4;
	_ =	sdelay $0x3  }
0xd3: {  	v3 =	vperm.xlane v3, v2  }
0xd4: {  	[tilespmem:s18], [sflag:$0x1] =	stream.indirect_vreg.gather [hbm4b:s1+s3], $0x80, v4, vm0, $0xb8;
	[tilespmem:$0x18200] =	vst v63  }
0xd5: {  	v3 =	vadd.s32 v1, v3  }
0xd6: {  	[tilespmem:s19], [sflag:$0x1] =	stream.indirect_vreg.gather [hbm4b:s5+s3], $0x80, v4, vm0, $0xb8;
	[tilespmem:$0x18200] =	vst v63  }
0xd7: {  	_ = 	snop  }
0xd8: {  	[tilespmem:s20], [sflag:$0x1] =	stream.indirect_vreg.gather [hbm4b:s6+s3], $0x80, v4, vm0, $0xb8;
	[tilespmem:$0x18200] =	vst v63  }
0xd9: {  	_ = 	snop  }
0xda: {  	[tilespmem:s21], [sflag:$0x1] =	stream.indirect_vreg.gather [hbm4b:s1+s3], $0x80, v3, vm0, $0xb8;
	[tilespmem:$0x18200] =	vst v63  }
0xdb: {  	_ = 	snop  }
0xdc: {  	[tilespmem:s22], [sflag:$0x1] =	stream.indirect_vreg.gather [hbm4b:s5+s3], $0x80, v3, vm0, $0xb8;
	[tilespmem:$0x18200] =	vst v63  }
0xdd: {  	_ = 	snop  }
0xde: {  	[tilespmem:s23], [sflag:$0x1] =	stream.indirect_vreg.gather [hbm4b:s6+s3], $0x80, v3, vm0, $0xb8;
	[tilespmem:$0x18200] =	vst v63  }
0xdf: {  	v3 =	vld [tilespmem:$0x120];
	_ =	sdelay $0x4  }
0xe0: {  	v58 =	vshrl.u32 v3, $0x3  }
0xe1: {  	v4 =	vmul.u32 $0x30, v58  }
0xe2: {  	v3 =	vand.u32 $0x7, v3  }
0xe3: {  	v3 =	vor.u32 v3, v4  }
0xe4: {  	v4 =	vperm.xlane v3, v0;
	_ =	sdelay $0x1  }
0xe5: {  	v4 =	vadd.s32 v1, v4;
	_ =	sdelay $0x3  }
0xe6: {  	v3 =	vperm.xlane v3, v2  }
0xe7: {  	[tilespmem:s24], [sflag:$0x1] =	stream.indirect_vreg.gather [hbm4b:s1+s3], $0x80, v4, vm0, $0xb8;
	[tilespmem:$0x18200] =	vst v63  }
0xe8: {  	v3 =	vadd.s32 v1, v3  }
0xe9: {  	[tilespmem:s25], [sflag:$0x1] =	stream.indirect_vreg.gather [hbm4b:s5+s3], $0x80, v4, vm0, $0xb8;
	[tilespmem:$0x18200] =	vst v63  }
0xea: {  	_ = 	snop  }
0xeb: {  	[tilespmem:s26], [sflag:$0x1] =	stream.indirect_vreg.gather [hbm4b:s6+s3], $0x80, v4, vm0, $0xb8;
	[tilespmem:$0x18200] =	vst v63  }
0xec: {  	_ = 	snop  }
0xed: {  	[tilespmem:s28], [sflag:$0x1] =	stream.indirect_vreg.gather [hbm4b:s1+s3], $0x80, v3, vm0, $0xb8;
	[tilespmem:$0x18200] =	vst v63  }
0xee: {  	_ = 	snop  }
0xef: {  	[tilespmem:s29], [sflag:$0x1] =	stream.indirect_vreg.gather [hbm4b:s5+s3], $0x80, v3, vm0, $0xb8;
	[tilespmem:$0x18200] =	vst v63  }
0xf0: {  	_ = 	snop  }
0xf1: {  	[tilespmem:s30], [sflag:$0x1] =	stream.indirect_vreg.gather [hbm4b:s6+s3], $0x80, v3, vm0, $0xb8;
	[tilespmem:$0x18200] =	vst v63  }
0xf2: {  	v3 =	vld [tilespmem:$0x130];
	_ =	sdelay $0x4  }
0xf3: {  	v59 =	vshrl.u32 v3, $0x3  }
0xf4: {  	v4 =	vmul.u32 $0x30, v59  }
0xf5: {  	v3 =	vand.u32 $0x7, v3  }
0xf6: {  	v3 =	vor.u32 v3, v4  }
0xf7: {  	v4 =	vperm.xlane v3, v0;
	_ =	sdelay $0x1  }
0xf8: {  	v4 =	vadd.s32 v1, v4;
	_ =	sdelay $0x3  }
0xf9: {  	v3 =	vperm.xlane v3, v2  }
0xfa: {  	[tilespmem:s31], [sflag:$0x1] =	stream.indirect_vreg.gather [hbm4b:s1+s3], $0x80, v4, vm0, $0xb8;
	[tilespmem:$0x18200] =	vst v63  }
0xfb: {  	v3 =	vadd.s32 v1, v3  }
0xfc: {  	[tilespmem:s2], [sflag:$0x1] =	stream.indirect_vreg.gather [hbm4b:s5+s3], $0x80, v4, vm0, $0xb8;
	[tilespmem:$0x18200] =	vst v63  }
0xfd: {  	s7 =	simm.s32 $0xA200  }
0xfe: {  	[tilespmem:s7], [sflag:$0x1] =	stream.indirect_vreg.gather [hbm4b:s6+s3], $0x80, v4, vm0, $0xb8;
	[tilespmem:$0x18200] =	vst v63  }
0xff: {  	_ = 	snop  }
0x100: {  	[tilespmem:s9], [sflag:$0x1] =	stream.indirect_vreg.gather [hbm4b:s1+s3], $0x80, v3, vm0, $0xb8;
	[tilespmem:$0x18200] =	vst v63  }
0x101: {  	s12 =	simm.s32 $0xB200  }
0x102: {  	[tilespmem:s12], [sflag:$0x1] =	stream.indirect_vreg.gather [hbm4b:s5+s3], $0x80, v3, vm0, $0xb8;
	[tilespmem:$0x18200] =	vst v63  }
0x103: {  	s2 =	simm.s32 $0x2  }
0x104: {  	[tilespmem:s10], [sflag:$0x1] =	stream.indirect_vreg.gather [hbm4b:s6+s3], $0x80, v3, vm0, $0xb8;
	[tilespmem:$0x18200] =	vst v63  }
0x105: {  	_ =	swait.ge [sflag:s2], $0xC000  }
0x106: {  	[sflag:s2] =	ssyncset.done $0x0  }
0x107: {  	s7 =	rddreg [dreg:$0x5];
	[sflag:s2] =	ssyncadd.s32 $0xFFFF4000  }
0x108: {  	[hbm4b:s7+s3] =	stream.linear.scatter [tilespmem:s11], [sflag:$0x3], $0xC000, $0x38;
	[tilespmem:$0x18200] =	vst v63  }
0x109: {  	_ =	swait.ge [sflag:s8], $0xC000  }
0x10a: {  	[sflag:s8] =	ssyncset.done $0x0  }
0x10b: {  	[sflag:s8] =	ssyncadd.s32 $0xFFFF4000  }
0x10c: {  	v3 =	vld [tilespmem:$0x180];
	_ =	sdelay $0x4  }
0x10d: {  	v60 =	vshrl.u32 v3, $0x3  }
0x10e: {  	v4 =	vmul.u32 $0x30, v60  }
0x10f: {  	v3 =	vand.u32 $0x7, v3  }
0x110: {  	v3 =	vor.u32 v3, v4  }
0x111: {  	v4 =	vperm.xlane v3, v0;
	_ =	sdelay $0x1  }
0x112: {  	v4 =	vadd.s32 v1, v4;
	_ =	sdelay $0x3  }
0x113: {  	v3 =	vperm.xlane v3, v2  }
0x114: {  	[tilespmem:s11], [sflag:$0x2] =	stream.indirect_vreg.gather [hbm4b:s1+s3], $0x80, v4, vm0, $0xb8;
	[tilespmem:$0x18200] =	vst v63  }
0x115: {  	s12 =	simm.s32 $0xCA00;
	v3 =	vadd.s32 v1, v3  }
0x116: {  	[tilespmem:s12], [sflag:$0x2] =	stream.indirect_vreg.gather [hbm4b:s5+s3], $0x80, v4, vm0, $0xb8;
	[tilespmem:$0x18200] =	vst v63  }
0x117: {  	s12 =	simm.s32 $0xD200  }
0x118: {  	[tilespmem:s12], [sflag:$0x2] =	stream.indirect_vreg.gather [hbm4b:s6+s3], $0x80, v4, vm0, $0xb8;
	[tilespmem:$0x18200] =	vst v63  }
0x119: {  	s12 =	simm.s32 $0xDA00  }
0x11a: {  	[tilespmem:s12], [sflag:$0x2] =	stream.indirect_vreg.gather [hbm4b:s1+s3], $0x80, v3, vm0, $0xb8;
	[tilespmem:$0x18200] =	vst v63  }
0x11b: {  	s12 =	simm.s32 $0xE200  }
0x11c: {  	[tilespmem:s12], [sflag:$0x2] =	stream.indirect_vreg.gather [hbm4b:s5+s3], $0x80, v3, vm0, $0xb8;
	[tilespmem:$0x18200] =	vst v63  }
0x11d: {  	s12 =	simm.s32 $0xEA00  }
0x11e: {  	[tilespmem:s12], [sflag:$0x2] =	stream.indirect_vreg.gather [hbm4b:s6+s3], $0x80, v3, vm0, $0xb8;
	[tilespmem:$0x18200] =	vst v63  }
0x11f: {  	v3 =	vld [tilespmem:$0x190];
	_ =	sdelay $0x4  }
0x120: {  	v61 =	vshrl.u32 v3, $0x3  }
0x121: {  	v4 =	vmul.u32 $0x30, v61  }
0x122: {  	v3 =	vand.u32 $0x7, v3  }
0x123: {  	v3 =	vor.u32 v3, v4  }
0x124: {  	v4 =	vperm.xlane v3, v0;
	_ =	sdelay $0x1  }
0x125: {  	v4 =	vadd.s32 v1, v4;
	_ =	sdelay $0x3  }
0x126: {  	s12 =	simm.s32 $0xF200;
	v3 =	vperm.xlane v3, v2  }
0x127: {  	[tilespmem:s12], [sflag:$0x2] =	stream.indirect_vreg.gather [hbm4b:s1+s3], $0x80, v4, vm0, $0xb8;
	[tilespmem:$0x18200] =	vst v63  }
0x128: {  	v3 =	vadd.s32 v1, v3;
	s12 =	simm.s32 $0xFA00  }
0x129: {  	[tilespmem:s12], [sflag:$0x2] =	stream.indirect_vreg.gather [hbm4b:s5+s3], $0x80, v4, vm0, $0xb8;
	[tilespmem:$0x18200] =	vst v63  }
0x12a: {  	s12 =	simm.s32 $0x10200  }
0x12b: {  	[tilespmem:s12], [sflag:$0x2] =	stream.indirect_vreg.gather [hbm4b:s6+s3], $0x80, v4, vm0, $0xb8;
	[tilespmem:$0x18200] =	vst v63  }
0x12c: {  	s12 =	simm.s32 $0x10A00  }
0x12d: {  	[tilespmem:s12], [sflag:$0x2] =	stream.indirect_vreg.gather [hbm4b:s1+s3], $0x80, v3, vm0, $0xb8;
	[tilespmem:$0x18200] =	vst v63  }
0x12e: {  	s12 =	simm.s32 $0x11200  }
0x12f: {  	[tilespmem:s12], [sflag:$0x2] =	stream.indirect_vreg.gather [hbm4b:s5+s3], $0x80, v3, vm0, $0xb8;
	[tilespmem:$0x18200] =	vst v63  }
0x130: {  	s12 =	simm.s32 $0x11A00  }
0x131: {  	[tilespmem:s12], [sflag:$0x2] =	stream.indirect_vreg.gather [hbm4b:s6+s3], $0x80, v3, vm0, $0xb8;
	[tilespmem:$0x18200] =	vst v63  }
0x132: {  	v3 =	vld [tilespmem:$0x1A0];
	_ =	sdelay $0x4  }
0x133: {  	v62 =	vshrl.u32 v3, $0x3  }
0x134: {  	v4 =	vmul.u32 $0x30, v62  }
0x135: {  	v3 =	vand.u32 $0x7, v3  }
0x136: {  	v3 =	vor.u32 v3, v4  }
0x137: {  	v4 =	vperm.xlane v3, v0;
	_ =	sdelay $0x1  }
0x138: {  	v4 =	vadd.s32 v1, v4;
	_ =	sdelay $0x3  }
0x139: {  	s12 =	simm.s32 $0x12200;
	v3 =	vperm.xlane v3, v2  }
0x13a: {  	[tilespmem:s12], [sflag:$0x2] =	stream.indirect_vreg.gather [hbm4b:s1+s3], $0x80, v4, vm0, $0xb8;
	[tilespmem:$0x18200] =	vst v63  }
0x13b: {  	v3 =	vadd.s32 v1, v3;
	s12 =	simm.s32 $0x12A00  }
0x13c: {  	[tilespmem:s12], [sflag:$0x2] =	stream.indirect_vreg.gather [hbm4b:s5+s3], $0x80, v4, vm0, $0xb8;
	[tilespmem:$0x18200] =	vst v63  }
0x13d: {  	s12 =	simm.s32 $0x13200  }
0x13e: {  	[tilespmem:s12], [sflag:$0x2] =	stream.indirect_vreg.gather [hbm4b:s6+s3], $0x80, v4, vm0, $0xb8;
	[tilespmem:$0x18200] =	vst v63  }
0x13f: {  	s12 =	simm.s32 $0x13A00  }
0x140: {  	[tilespmem:s12], [sflag:$0x2] =	stream.indirect_vreg.gather [hbm4b:s1+s3], $0x80, v3, vm0, $0xb8;
	[tilespmem:$0x18200] =	vst v63  }
0x141: {  	s12 =	simm.s32 $0x14200  }
0x142: {  	[tilespmem:s12], [sflag:$0x2] =	stream.indirect_vreg.gather [hbm4b:s5+s3], $0x80, v3, vm0, $0xb8;
	[tilespmem:$0x18200] =	vst v63  }
0x143: {  	s12 =	simm.s32 $0x14A00  }
0x144: {  	[tilespmem:s12], [sflag:$0x2] =	stream.indirect_vreg.gather [hbm4b:s6+s3], $0x80, v3, vm0, $0xb8;
	[tilespmem:$0x18200] =	vst v63  }
0x145: {  	v3 =	vld [tilespmem:$0x1B0];
	_ =	sdelay $0x4  }
0x146: {  	v63 =	vshrl.u32 v3, $0x3  }
0x147: {  	v4 =	vmul.u32 $0x30, v63  }
0x148: {  	v3 =	vand.u32 $0x7, v3  }
0x149: {  	v3 =	vor.u32 v3, v4  }
0x14a: {  	v4 =	vperm.xlane v3, v0;
	_ =	sdelay $0x1  }
0x14b: {  	v4 =	vadd.s32 v1, v4;
	_ =	sdelay $0x3  }
0x14c: {  	s12 =	simm.s32 $0x15200;
	v3 =	vperm.xlane v3, v2  }
0x14d: {  	[tilespmem:s12], [sflag:$0x2] =	stream.indirect_vreg.gather [hbm4b:s1+s3], $0x80, v4, vm0, $0xb8;
	[tilespmem:$0x18200] =	vst v63  }
0x14e: {  	v3 =	vadd.s32 v1, v3;
	s12 =	simm.s32 $0x15A00  }
0x14f: {  	[tilespmem:s12], [sflag:$0x2] =	stream.indirect_vreg.gather [hbm4b:s5+s3], $0x80, v4, vm0, $0xb8;
	[tilespmem:$0x18200] =	vst v63  }
0x150: {  	s12 =	simm.s32 $0x16200  }
0x151: {  	[tilespmem:s12], [sflag:$0x2] =	stream.indirect_vreg.gather [hbm4b:s6+s3], $0x80, v4, vm0, $0xb8;
	[tilespmem:$0x18200] =	vst v63  }
0x152: {  	s12 =	simm.s32 $0x16A00  }
0x153: {  	[tilespmem:s12], [sflag:$0x2] =	stream.indirect_vreg.gather [hbm4b:s1+s3], $0x80, v3, vm0, $0xb8;
	[tilespmem:$0x18200] =	vst v63  }
0x154: {  	s12 =	simm.s32 $0x17200  }
0x155: {  	[tilespmem:s12], [sflag:$0x2] =	stream.indirect_vreg.gather [hbm4b:s5+s3], $0x80, v3, vm0, $0xb8;
	[tilespmem:$0x18200] =	vst v63  }
0x156: {  	s12 =	simm.s32 $0x17A00  }
0x157: {  	[tilespmem:s12], [sflag:$0x2] =	stream.indirect_vreg.gather [hbm4b:s6+s3], $0x80, v3, vm0, $0xb8;
	[tilespmem:$0x18200] =	vst v63  }
0x158: {  	_ =	swait.ge [sflag:s0], $0xC000  }
0x159: {  	[sflag:s0] =	ssyncset.done $0x0  }
0x15a: {  	s7 =	simm.s32 $0x200;
	s12 =	rddreg [dreg:$0x6];
	[sflag:s0] =	ssyncadd.s32 $0xFFFF4000  }
0x15b: {  	[hbm4b:s12+s3] =	stream.linear.scatter [tilespmem:s7], [sflag:$0x3], $0xC000, $0x38;
	[tilespmem:$0x18200] =	vst v63  }
0x15c: {  	_ =	swait.ge [sflag:s8], $0xC000  }
0x15d: {  	[sflag:s8] =	ssyncset.done $0x0  }
0x15e: {  	[sflag:s8] =	ssyncadd.s32 $0xFFFF4000  }
0x15f: {  	_ =	swait.ge [sflag:s2], $0xC000  }
0x160: {  	p0 =	sne.s32 s4, $0x1;
	[sflag:s2] =	ssyncset.done $0x0  }
.Ltmp0:
0x161: {  	s7 =	rddreg [dreg:$0x7];
	[sflag:s2] =	ssyncadd.s32 $0xFFFF4000;
	(pc) =	sbr.rel @p0 .LBB2_1-.Ltmp0, $4  }
0x162: {  	[hbm4b:s7+s3] =	stream.linear.scatter [tilespmem:s11], [sflag:$0x3], $0xC000, $0x38;
	[tilespmem:$0x18200] =	vst v63  }
0x163: {  	_ =	swait.ge [sflag:s8], $0xC000  }
0x164: {  	[sflag:s8] =	ssyncset.done $0x0  }
0x165: {  	s4 =	sadd.s32 $0xFFFFFFFF, s4;
	[sflag:s8] =	ssyncadd.s32 $0xFFFF4000  }
0x166: {  	_ =	sfence.sel $0x180000  }
0x167: {  	[bflag:$0x0] =	sbarrier.arrive $0xFFFF  }
0x168: {  	_ =	strace $0x90000047  }
0x169: {  	s0 =	stileid.u32;
	[bflag:$0x2] =	sbarrier.arrive $0xFFFF  }
0x16a: {  	p0 =	sne.s32 s0, $0x0;
	s0 =	rddreg [dreg:$0x3]  }
0x16b: {  	s0 =	sadd.s32 @!p0 $0x100000, s0  }
0x16c: {  	[sflag:s0] =	ssyncadd.tile.s32 @!p0 $0x1;
	_ =	shalt  }
.Lfunc_end2:
_tile_overlayer_lowered:
.L_overlay_start_2:
0x16d: {  	(tag) =	ssettag $0x2  }
0x16e: {  	s0 =	rddreg [dreg:$0x0];
	s2 =	stileid.u32  }
0x16f: {  	s1 =	rddreg [dreg:$0x1];
	p0 =	sne.s32 s2, $0x0  }
0x170: {  	s3 =	rddreg [dreg:$0x2];
	[bflag:$0x3] =	sbarrier.arrive $0xFFFF;
	s2 =	simm.s32 @!p0 $0x1C03  }
0x171: {  	[timem:s3], [sflag:s2] =	dma.local @!p0 [hbm:s0], s1  }
0x172: {  	s0 =	simm.s32 @!p0 $0x3  }
0x173: {  	_ =	swait.ge @!p0 [sflag:s0], s1  }
0x174: {  	s1 =	ssub.s32 @!p0 $0x0, s1;
	[sflag:s0] =	ssyncset.done @!p0 $0x0  }
0x175: {  	[sflag:s0] =	ssyncadd.s32 @!p0 s1  }
0x176: {  	[bflag:$0x3] =	sbarrier.arrive $0xFFFF  }
0x177: {  	_ =	shalt  }

</sc_bundles>
